<compile_context>
chip_gen: v7x
topology: tpu7x:2x2x1
jax: 0.10.2.dev20260603
libtpu: 0.0.44.dev20260713+nightly
codegen_flags: <defaults>
</compile_context>

<pallas_src>
import functools

import jax
import jax.numpy as jnp
from jax import lax
from jax.experimental import pallas as pl
from jax.experimental.pallas import tpu as pltpu
from jax.experimental.pallas import tpu_sc as plsc

CHUNKS_PER_ROW = 16
CHUNK_D = 49152 // CHUNKS_PER_ROW
NUM_WORKERS = 32
ROWS_PER_DMA = 16

_mesh = plsc.VectorSubcoreMesh(core_axis_name="c", subcore_axis_name="s")


@functools.partial(
    pl.kernel,
    out_type=jax.ShapeDtypeStruct((8192, CHUNK_D), jnp.float32),
    mesh=_mesh,
    scratch_types=[
        pltpu.VMEM((256,), jnp.int32),
        pltpu.VMEM((ROWS_PER_DMA, CHUNK_D), jnp.float32),
        pltpu.VMEM((ROWS_PER_DMA, CHUNK_D), jnp.float32),
        pltpu.SemaphoreType.DMA,
        pltpu.SemaphoreType.DMA,
    ],
)
def _gather_rows(idx_hbm, table_hbm, out_hbm, idx_v, buf0, buf1, sem0, sem1):
    wid = lax.axis_index("s") * 2 + lax.axis_index("c")
    base = wid * 256
    pltpu.sync_copy(idx_hbm.at[pl.ds(base, 256)], idx_v)

    bufs = (buf0, buf1)
    sems = (sem0, sem1)
    copies = [None, None]
    n_iters = 256 // ROWS_PER_DMA
    copies[0] = pltpu.async_copy(
        table_hbm.at[idx_v.at[pl.ds(0, ROWS_PER_DMA)]], buf0, sem0)
    for t in range(n_iters):
        nt = t + 1
        if nt < n_iters:
            copies[nt % 2] = pltpu.async_copy(
                table_hbm.at[idx_v.at[pl.ds(nt * ROWS_PER_DMA, ROWS_PER_DMA)]],
                bufs[nt % 2], sems[nt % 2])
        copies[t % 2].wait()
        pltpu.sync_copy(
            bufs[t % 2], out_hbm.at[pl.ds(base + t * ROWS_PER_DMA, ROWS_PER_DMA)])


def kernel(prefix_tokens, table):
    b, s = prefix_tokens.shape
    emb_dim = table.shape[1]
    table_chunks = table.reshape(table.shape[0] * CHUNKS_PER_ROW, CHUNK_D)
    idx = prefix_tokens.reshape(-1).astype(jnp.int32)
    chunk_idx = (idx[:, None] * CHUNKS_PER_ROW
                 + jnp.arange(CHUNKS_PER_ROW, dtype=jnp.int32)[None, :]).reshape(-1)
    out = _gather_rows(chunk_idx, table_chunks)
    return out.reshape(b, s, emb_dim)

# --- scband reference (transcript-rebuilt; emitter-appended) ---
"""Pipeline reference for scband-prefix-encoder-25494925869717 (READ-ONLY COPY).

The authoritative reference and input builder live on the scoring server;
editing this copy changes nothing except your own understanding.
"""

import jax, jax.numpy as jnp
import numpy as np

PRE_SEQ_LEN = 128
NUM_LAYERS = 24
HIDDEN = 1024
EMB_DIM = NUM_LAYERS * 2 * HIDDEN  # 49152
BATCH = 4

def setup_inputs(seed: int = 0) -> dict:
    key = jax.random.key(seed)
    k1, k2 = jax.random.split(key)
    prefix_tokens = jax.random.randint(k1, (BATCH, PRE_SEQ_LEN), 0, PRE_SEQ_LEN, dtype=jnp.int64 if jax.config.jax_enable_x64 else jnp.int32)
    table = jax.random.normal(k2, (PRE_SEQ_LEN, EMB_DIM), dtype=jnp.float32) * 0.02
    return {"prefix_tokens": prefix_tokens, "table": table}

def reference(prefix_tokens, table):
    # torch.nn.Embedding lookup: gather rows of the table
    return jnp.take(table, prefix_tokens, axis=0)

if __name__ == "__main__":
    import jax
    _d = setup_inputs()
    print(jax.jit(kernel)(*tuple(_d.values())))

</pallas_src>

<mosaic_0001>
#map = affine_map<(d0, d1) -> (0)>
#map1 = affine_map<(d0, d1) -> (0, 0)>
module attributes {stable_mosaic.version = 14 : i64} {
  func.func @_gather_rows(%arg0: i32, %arg1: i32, %arg2: memref<8192xi32, #tpu.memory_space<hbm>>, %arg3: memref<2048x3072xf32, #tpu.memory_space<hbm>>, %arg4: memref<8192x3072xf32, #tpu.memory_space<hbm>>, %arg5: memref<256xi32, #tpu.memory_space<vmem>>, %arg6: memref<16x3072xf32, #tpu.memory_space<vmem>>, %arg7: memref<16x3072xf32, #tpu.memory_space<vmem>>, %arg8: memref<!tpu.dma_semaphore, #tpu.memory_space<semaphore_mem>>, %arg9: memref<!tpu.dma_semaphore, #tpu.memory_space<semaphore_mem>>) attributes {dimension_semantics = [#tpu.dimension_semantics<core_parallel>, #tpu.dimension_semantics<subcore_parallel>], iteration_bounds = array<i64: 2, 16>, scalar_prefetch = 0 : i64, scratch_operands = 5 : i64, tpu.core_type = #tpu.core_type<sc_vector_subcore>, window_params = [{transform_indices = #map}, {transform_indices = #map1}, {transform_indices = #map1}]} {
    %mul3A = arith.constant 2 : i32
    %mul3A_0 = arith.muli %arg1, %mul3A : i32
    %add3A = arith.addi %mul3A_0, %arg0 : i32
    %mul3A_1 = arith.constant 256 : i32
    %mul3A_2 = arith.muli %add3A, %mul3A_1 : i32
    "tpu.region"() ({
      %run_scoped3A = tpu.sem_alloc : memref<!tpu.dma_semaphore, #tpu.memory_space<semaphore_mem>>
      %dma_start3A_193 = tpu.memref_slice %arg2[%mul3A_2] : memref<8192xi32, #tpu.memory_space<hbm>> -> memref<256xi32, #tpu.memory_space<hbm>>
      %dma_start3A_194 = tpu.memref_slice %arg2[%mul3A_2] : memref<8192xi32, #tpu.memory_space<hbm>> -> memref<256xi32, #tpu.memory_space<hbm>>
      tpu.enqueue_dma source(%dma_start3A_194 : memref<256xi32, #tpu.memory_space<hbm>>) target(%arg5 : memref<256xi32, #tpu.memory_space<vmem>>) target_semaphore(%run_scoped3A : memref<!tpu.dma_semaphore, #tpu.memory_space<semaphore_mem>>)
      %dma_wait3A_195 = tpu.memref_slice %arg2[%mul3A_2] : memref<8192xi32, #tpu.memory_space<hbm>> -> memref<256xi32, #tpu.memory_space<hbm>>
      %dma_wait3A_196 = tpu.memref_slice %arg2[%mul3A_2] : memref<8192xi32, #tpu.memory_space<hbm>> -> memref<256xi32, #tpu.memory_space<hbm>>
      tpu.wait_dma2 semaphore(%run_scoped3A : memref<!tpu.dma_semaphore, #tpu.memory_space<semaphore_mem>>) src(%dma_wait3A_196 : memref<256xi32, #tpu.memory_space<hbm>>) dst(%arg5 : memref<256xi32, #tpu.memory_space<vmem>>)
      tpu.yield
    }) : () -> ()
    %dma_start3A = arith.constant 0 : i32
    %dma_start3A_3 = tpu.memref_slice %arg5[%dma_start3A] : memref<256xi32, #tpu.memory_space<vmem>> -> memref<16xi32, #tpu.memory_space<vmem>>
    %dma_start3A_4 = arith.constant 0 : i32
    %dma_start3A_5 = arith.constant 0 : i32
    %dma_start3A_6 = tpu.memref_slice %arg3[%dma_start3A_4, %dma_start3A_5] : memref<2048x3072xf32, #tpu.memory_space<hbm>> -> memref<2048x3072xf32, #tpu.memory_space<hbm>>
    tpu.enqueue_indirect_dma source(%dma_start3A_6 : memref<2048x3072xf32, #tpu.memory_space<hbm>>) target(%arg6 : memref<16x3072xf32, #tpu.memory_space<vmem>>) offsets(%dma_start3A_3 : memref<16xi32, #tpu.memory_space<vmem>>) semaphore(%arg8 : memref<!tpu.dma_semaphore, #tpu.memory_space<semaphore_mem>>)
    %dma_start3A_7 = arith.constant 16 : i32
    %dma_start3A_8 = tpu.memref_slice %arg5[%dma_start3A_7] : memref<256xi32, #tpu.memory_space<vmem>> -> memref<16xi32, #tpu.memory_space<vmem>>
    %dma_start3A_9 = arith.constant 0 : i32
    %dma_start3A_10 = arith.constant 0 : i32
    %dma_start3A_11 = tpu.memref_slice %arg3[%dma_start3A_9, %dma_start3A_10] : memref<2048x3072xf32, #tpu.memory_space<hbm>> -> memref<2048x3072xf32, #tpu.memory_space<hbm>>
    tpu.enqueue_indirect_dma source(%dma_start3A_11 : memref<2048x3072xf32, #tpu.memory_space<hbm>>) target(%arg7 : memref<16x3072xf32, #tpu.memory_space<vmem>>) offsets(%dma_start3A_8 : memref<16xi32, #tpu.memory_space<vmem>>) semaphore(%arg9 : memref<!tpu.dma_semaphore, #tpu.memory_space<semaphore_mem>>)
    %dma_wait3A = arith.constant 0 : i32
    %dma_wait3A_12 = tpu.memref_slice %arg5[%dma_wait3A] : memref<256xi32, #tpu.memory_space<vmem>> -> memref<16xi32, #tpu.memory_space<vmem>>
    %dma_wait3A_13 = arith.constant 0 : i32
    %dma_wait3A_14 = arith.constant 0 : i32
    %dma_wait3A_15 = tpu.memref_slice %arg3[%dma_wait3A_13, %dma_wait3A_14] : memref<2048x3072xf32, #tpu.memory_space<hbm>> -> memref<2048x3072xf32, #tpu.memory_space<hbm>>
    tpu.wait_indirect_dma semaphore(%arg8 : memref<!tpu.dma_semaphore, #tpu.memory_space<semaphore_mem>>) src(%dma_wait3A_15 : memref<2048x3072xf32, #tpu.memory_space<hbm>>) dst(%arg6 : memref<16x3072xf32, #tpu.memory_space<vmem>>)
    %add3A_16 = arith.constant 0 : i32
    %add3A_17 = arith.addi %mul3A_2, %add3A_16 : i32
    "tpu.region"() ({
      %run_scoped3A = tpu.sem_alloc : memref<!tpu.dma_semaphore, #tpu.memory_space<semaphore_mem>>
      %dma_start3A_193 = arith.constant 0 : i32
      %dma_start3A_194 = tpu.memref_slice %arg4[%add3A_17, %dma_start3A_193] : memref<8192x3072xf32, #tpu.memory_space<hbm>> -> memref<16x3072xf32, #tpu.memory_space<hbm>>
      %dma_start3A_195 = arith.constant 0 : i32
      %dma_start3A_196 = tpu.memref_slice %arg4[%add3A_17, %dma_start3A_195] : memref<8192x3072xf32, #tpu.memory_space<hbm>> -> memref<16x3072xf32, #tpu.memory_space<hbm>>
      tpu.enqueue_dma source(%arg6 : memref<16x3072xf32, #tpu.memory_space<vmem>>) target(%dma_start3A_196 : memref<16x3072xf32, #tpu.memory_space<hbm>>) target_semaphore(%run_scoped3A : memref<!tpu.dma_semaphore, #tpu.memory_space<semaphore_mem>>)
      %dma_wait3A_197 = arith.constant 0 : i32
      %dma_wait3A_198 = tpu.memref_slice %arg4[%add3A_17, %dma_wait3A_197] : memref<8192x3072xf32, #tpu.memory_space<hbm>> -> memref<16x3072xf32, #tpu.memory_space<hbm>>
      %dma_wait3A_199 = arith.constant 0 : i32
      %dma_wait3A_200 = tpu.memref_slice %arg4[%add3A_17, %dma_wait3A_199] : memref<8192x3072xf32, #tpu.memory_space<hbm>> -> memref<16x3072xf32, #tpu.memory_space<hbm>>
      tpu.wait_dma2 semaphore(%run_scoped3A : memref<!tpu.dma_semaphore, #tpu.memory_space<semaphore_mem>>) src(%arg6 : memref<16x3072xf32, #tpu.memory_space<vmem>>) dst(%dma_wait3A_200 : memref<16x3072xf32, #tpu.memory_space<hbm>>)
      tpu.yield
    }) : () -> ()
    %dma_start3A_18 = arith.constant 32 : i32
    %dma_start3A_19 = tpu.memref_slice %arg5[%dma_start3A_18] : memref<256xi32, #tpu.memory_space<vmem>> -> memref<16xi32, #tpu.memory_space<vmem>>
    %dma_start3A_20 = arith.constant 0 : i32
    %dma_start3A_21 = arith.constant 0 : i32
    %dma_start3A_22 = tpu.memref_slice %arg3[%dma_start3A_20, %dma_start3A_21] : memref<2048x3072xf32, #tpu.memory_space<hbm>> -> memref<2048x3072xf32, #tpu.memory_space<hbm>>
    tpu.enqueue_indirect_dma source(%dma_start3A_22 : memref<2048x3072xf32, #tpu.memory_space<hbm>>) target(%arg6 : memref<16x3072xf32, #tpu.memory_space<vmem>>) offsets(%dma_start3A_19 : memref<16xi32, #tpu.memory_space<vmem>>) semaphore(%arg8 : memref<!tpu.dma_semaphore, #tpu.memory_space<semaphore_mem>>)
    %dma_wait3A_23 = arith.constant 16 : i32
    %dma_wait3A_24 = tpu.memref_slice %arg5[%dma_wait3A_23] : memref<256xi32, #tpu.memory_space<vmem>> -> memref<16xi32, #tpu.memory_space<vmem>>
    %dma_wait3A_25 = arith.constant 0 : i32
    %dma_wait3A_26 = arith.constant 0 : i32
    %dma_wait3A_27 = tpu.memref_slice %arg3[%dma_wait3A_25, %dma_wait3A_26] : memref<2048x3072xf32, #tpu.memory_space<hbm>> -> memref<2048x3072xf32, #tpu.memory_space<hbm>>
    tpu.wait_indirect_dma semaphore(%arg9 : memref<!tpu.dma_semaphore, #tpu.memory_space<semaphore_mem>>) src(%dma_wait3A_27 : memref<2048x3072xf32, #tpu.memory_space<hbm>>) dst(%arg7 : memref<16x3072xf32, #tpu.memory_space<vmem>>)
    %add3A_28 = arith.constant 16 : i32
    %add3A_29 = arith.addi %mul3A_2, %add3A_28 : i32
    "tpu.region"() ({
      %run_scoped3A = tpu.sem_alloc : memref<!tpu.dma_semaphore, #tpu.memory_space<semaphore_mem>>
      %dma_start3A_193 = arith.constant 0 : i32
      %dma_start3A_194 = tpu.memref_slice %arg4[%add3A_29, %dma_start3A_193] : memref<8192x3072xf32, #tpu.memory_space<hbm>> -> memref<16x3072xf32, #tpu.memory_space<hbm>>
      %dma_start3A_195 = arith.constant 0 : i32
      %dma_start3A_196 = tpu.memref_slice %arg4[%add3A_29, %dma_start3A_195] : memref<8192x3072xf32, #tpu.memory_space<hbm>> -> memref<16x3072xf32, #tpu.memory_space<hbm>>
      tpu.enqueue_dma source(%arg7 : memref<16x3072xf32, #tpu.memory_space<vmem>>) target(%dma_start3A_196 : memref<16x3072xf32, #tpu.memory_space<hbm>>) target_semaphore(%run_scoped3A : memref<!tpu.dma_semaphore, #tpu.memory_space<semaphore_mem>>)
      %dma_wait3A_197 = arith.constant 0 : i32
      %dma_wait3A_198 = tpu.memref_slice %arg4[%add3A_29, %dma_wait3A_197] : memref<8192x3072xf32, #tpu.memory_space<hbm>> -> memref<16x3072xf32, #tpu.memory_space<hbm>>
      %dma_wait3A_199 = arith.constant 0 : i32
      %dma_wait3A_200 = tpu.memref_slice %arg4[%add3A_29, %dma_wait3A_199] : memref<8192x3072xf32, #tpu.memory_space<hbm>> -> memref<16x3072xf32, #tpu.memory_space<hbm>>
      tpu.wait_dma2 semaphore(%run_scoped3A : memref<!tpu.dma_semaphore, #tpu.memory_space<semaphore_mem>>) src(%arg7 : memref<16x3072xf32, #tpu.memory_space<vmem>>) dst(%dma_wait3A_200 : memref<16x3072xf32, #tpu.memory_space<hbm>>)
      tpu.yield
    }) : () -> ()
    %dma_start3A_30 = arith.constant 48 : i32
    %dma_start3A_31 = tpu.memref_slice %arg5[%dma_start3A_30] : memref<256xi32, #tpu.memory_space<vmem>> -> memref<16xi32, #tpu.memory_space<vmem>>
    %dma_start3A_32 = arith.constant 0 : i32
    %dma_start3A_33 = arith.constant 0 : i32
    %dma_start3A_34 = tpu.memref_slice %arg3[%dma_start3A_32, %dma_start3A_33] : memref<2048x3072xf32, #tpu.memory_space<hbm>> -> memref<2048x3072xf32, #tpu.memory_space<hbm>>
    tpu.enqueue_indirect_dma source(%dma_start3A_34 : memref<2048x3072xf32, #tpu.memory_space<hbm>>) target(%arg7 : memref<16x3072xf32, #tpu.memory_space<vmem>>) offsets(%dma_start3A_31 : memref<16xi32, #tpu.memory_space<vmem>>) semaphore(%arg9 : memref<!tpu.dma_semaphore, #tpu.memory_space<semaphore_mem>>)
    %dma_wait3A_35 = arith.constant 32 : i32
    %dma_wait3A_36 = tpu.memref_slice %arg5[%dma_wait3A_35] : memref<256xi32, #tpu.memory_space<vmem>> -> memref<16xi32, #tpu.memory_space<vmem>>
    %dma_wait3A_37 = arith.constant 0 : i32
    %dma_wait3A_38 = arith.constant 0 : i32
    %dma_wait3A_39 = tpu.memref_slice %arg3[%dma_wait3A_37, %dma_wait3A_38] : memref<2048x3072xf32, #tpu.memory_space<hbm>> -> memref<2048x3072xf32, #tpu.memory_space<hbm>>
    tpu.wait_indirect_dma semaphore(%arg8 : memref<!tpu.dma_semaphore, #tpu.memory_space<semaphore_mem>>) src(%dma_wait3A_39 : memref<2048x3072xf32, #tpu.memory_space<hbm>>) dst(%arg6 : memref<16x3072xf32, #tpu.memory_space<vmem>>)
    %add3A_40 = arith.constant 32 : i32
    %add3A_41 = arith.addi %mul3A_2, %add3A_40 : i32
    "tpu.region"() ({
      %run_scoped3A = tpu.sem_alloc : memref<!tpu.dma_semaphore, #tpu.memory_space<semaphore_mem>>
      %dma_start3A_193 = arith.constant 0 : i32
      %dma_start3A_194 = tpu.memref_slice %arg4[%add3A_41, %dma_start3A_193] : memref<8192x3072xf32, #tpu.memory_space<hbm>> -> memref<16x3072xf32, #tpu.memory_space<hbm>>
      %dma_start3A_195 = arith.constant 0 : i32
      %dma_start3A_196 = tpu.memref_slice %arg4[%add3A_41, %dma_start3A_195] : memref<8192x3072xf32, #tpu.memory_space<hbm>> -> memref<16x3072xf32, #tpu.memory_space<hbm>>
      tpu.enqueue_dma source(%arg6 : memref<16x3072xf32, #tpu.memory_space<vmem>>) target(%dma_start3A_196 : memref<16x3072xf32, #tpu.memory_space<hbm>>) target_semaphore(%run_scoped3A : memref<!tpu.dma_semaphore, #tpu.memory_space<semaphore_mem>>)
      %dma_wait3A_197 = arith.constant 0 : i32
      %dma_wait3A_198 = tpu.memref_slice %arg4[%add3A_41, %dma_wait3A_197] : memref<8192x3072xf32, #tpu.memory_space<hbm>> -> memref<16x3072xf32, #tpu.memory_space<hbm>>
      %dma_wait3A_199 = arith.constant 0 : i32
      %dma_wait3A_200 = tpu.memref_slice %arg4[%add3A_41, %dma_wait3A_199] : memref<8192x3072xf32, #tpu.memory_space<hbm>> -> memref<16x3072xf32, #tpu.memory_space<hbm>>
      tpu.wait_dma2 semaphore(%run_scoped3A : memref<!tpu.dma_semaphore, #tpu.memory_space<semaphore_mem>>) src(%arg6 : memref<16x3072xf32, #tpu.memory_space<vmem>>) dst(%dma_wait3A_200 : memref<16x3072xf32, #tpu.memory_space<hbm>>)
      tpu.yield
    }) : () -> ()
    %dma_start3A_42 = arith.constant 64 : i32
    %dma_start3A_43 = tpu.memref_slice %arg5[%dma_start3A_42] : memref<256xi32, #tpu.memory_space<vmem>> -> memref<16xi32, #tpu.memory_space<vmem>>
    %dma_start3A_44 = arith.constant 0 : i32
    %dma_start3A_45 = arith.constant 0 : i32
    %dma_start3A_46 = tpu.memref_slice %arg3[%dma_start3A_44, %dma_start3A_45] : memref<2048x3072xf32, #tpu.memory_space<hbm>> -> memref<2048x3072xf32, #tpu.memory_space<hbm>>
    tpu.enqueue_indirect_dma source(%dma_start3A_46 : memref<2048x3072xf32, #tpu.memory_space<hbm>>) target(%arg6 : memref<16x3072xf32, #tpu.memory_space<vmem>>) offsets(%dma_start3A_43 : memref<16xi32, #tpu.memory_space<vmem>>) semaphore(%arg8 : memref<!tpu.dma_semaphore, #tpu.memory_space<semaphore_mem>>)
    %dma_wait3A_47 = arith.constant 48 : i32
    %dma_wait3A_48 = tpu.memref_slice %arg5[%dma_wait3A_47] : memref<256xi32, #tpu.memory_space<vmem>> -> memref<16xi32, #tpu.memory_space<vmem>>
    %dma_wait3A_49 = arith.constant 0 : i32
    %dma_wait3A_50 = arith.constant 0 : i32
    %dma_wait3A_51 = tpu.memref_slice %arg3[%dma_wait3A_49, %dma_wait3A_50] : memref<2048x3072xf32, #tpu.memory_space<hbm>> -> memref<2048x3072xf32, #tpu.memory_space<hbm>>
    tpu.wait_indirect_dma semaphore(%arg9 : memref<!tpu.dma_semaphore, #tpu.memory_space<semaphore_mem>>) src(%dma_wait3A_51 : memref<2048x3072xf32, #tpu.memory_space<hbm>>) dst(%arg7 : memref<16x3072xf32, #tpu.memory_space<vmem>>)
    %add3A_52 = arith.constant 48 : i32
    %add3A_53 = arith.addi %mul3A_2, %add3A_52 : i32
    "tpu.region"() ({
      %run_scoped3A = tpu.sem_alloc : memref<!tpu.dma_semaphore, #tpu.memory_space<semaphore_mem>>
      %dma_start3A_193 = arith.constant 0 : i32
      %dma_start3A_194 = tpu.memref_slice %arg4[%add3A_53, %dma_start3A_193] : memref<8192x3072xf32, #tpu.memory_space<hbm>> -> memref<16x3072xf32, #tpu.memory_space<hbm>>
      %dma_start3A_195 = arith.constant 0 : i32
      %dma_start3A_196 = tpu.memref_slice %arg4[%add3A_53, %dma_start3A_195] : memref<8192x3072xf32, #tpu.memory_space<hbm>> -> memref<16x3072xf32, #tpu.memory_space<hbm>>
      tpu.enqueue_dma source(%arg7 : memref<16x3072xf32, #tpu.memory_space<vmem>>) target(%dma_start3A_196 : memref<16x3072xf32, #tpu.memory_space<hbm>>) target_semaphore(%run_scoped3A : memref<!tpu.dma_semaphore, #tpu.memory_space<semaphore_mem>>)
      %dma_wait3A_197 = arith.constant 0 : i32
      %dma_wait3A_198 = tpu.memref_slice %arg4[%add3A_53, %dma_wait3A_197] : memref<8192x3072xf32, #tpu.memory_space<hbm>> -> memref<16x3072xf32, #tpu.memory_space<hbm>>
      %dma_wait3A_199 = arith.constant 0 : i32
      %dma_wait3A_200 = tpu.memref_slice %arg4[%add3A_53, %dma_wait3A_199] : memref<8192x3072xf32, #tpu.memory_space<hbm>> -> memref<16x3072xf32, #tpu.memory_space<hbm>>
      tpu.wait_dma2 semaphore(%run_scoped3A : memref<!tpu.dma_semaphore, #tpu.memory_space<semaphore_mem>>) src(%arg7 : memref<16x3072xf32, #tpu.memory_space<vmem>>) dst(%dma_wait3A_200 : memref<16x3072xf32, #tpu.memory_space<hbm>>)
      tpu.yield
    }) : () -> ()
    %dma_start3A_54 = arith.constant 80 : i32
    %dma_start3A_55 = tpu.memref_slice %arg5[%dma_start3A_54] : memref<256xi32, #tpu.memory_space<vmem>> -> memref<16xi32, #tpu.memory_space<vmem>>
    %dma_start3A_56 = arith.constant 0 : i32
    %dma_start3A_57 = arith.constant 0 : i32
    %dma_start3A_58 = tpu.memref_slice %arg3[%dma_start3A_56, %dma_start3A_57] : memref<2048x3072xf32, #tpu.memory_space<hbm>> -> memref<2048x3072xf32, #tpu.memory_space<hbm>>
    tpu.enqueue_indirect_dma source(%dma_start3A_58 : memref<2048x3072xf32, #tpu.memory_space<hbm>>) target(%arg7 : memref<16x3072xf32, #tpu.memory_space<vmem>>) offsets(%dma_start3A_55 : memref<16xi32, #tpu.memory_space<vmem>>) semaphore(%arg9 : memref<!tpu.dma_semaphore, #tpu.memory_space<semaphore_mem>>)
    %dma_wait3A_59 = arith.constant 64 : i32
    %dma_wait3A_60 = tpu.memref_slice %arg5[%dma_wait3A_59] : memref<256xi32, #tpu.memory_space<vmem>> -> memref<16xi32, #tpu.memory_space<vmem>>
    %dma_wait3A_61 = arith.constant 0 : i32
    %dma_wait3A_62 = arith.constant 0 : i32
    %dma_wait3A_63 = tpu.memref_slice %arg3[%dma_wait3A_61, %dma_wait3A_62] : memref<2048x3072xf32, #tpu.memory_space<hbm>> -> memref<2048x3072xf32, #tpu.memory_space<hbm>>
    tpu.wait_indirect_dma semaphore(%arg8 : memref<!tpu.dma_semaphore, #tpu.memory_space<semaphore_mem>>) src(%dma_wait3A_63 : memref<2048x3072xf32, #tpu.memory_space<hbm>>) dst(%arg6 : memref<16x3072xf32, #tpu.memory_space<vmem>>)
    %add3A_64 = arith.constant 64 : i32
    %add3A_65 = arith.addi %mul3A_2, %add3A_64 : i32
    "tpu.region"() ({
      %run_scoped3A = tpu.sem_alloc : memref<!tpu.dma_semaphore, #tpu.memory_space<semaphore_mem>>
      %dma_start3A_193 = arith.constant 0 : i32
      %dma_start3A_194 = tpu.memref_slice %arg4[%add3A_65, %dma_start3A_193] : memref<8192x3072xf32, #tpu.memory_space<hbm>> -> memref<16x3072xf32, #tpu.memory_space<hbm>>
      %dma_start3A_195 = arith.constant 0 : i32
      %dma_start3A_196 = tpu.memref_slice %arg4[%add3A_65, %dma_start3A_195] : memref<8192x3072xf32, #tpu.memory_space<hbm>> -> memref<16x3072xf32, #tpu.memory_space<hbm>>
      tpu.enqueue_dma source(%arg6 : memref<16x3072xf32, #tpu.memory_space<vmem>>) target(%dma_start3A_196 : memref<16x3072xf32, #tpu.memory_space<hbm>>) target_semaphore(%run_scoped3A : memref<!tpu.dma_semaphore, #tpu.memory_space<semaphore_mem>>)
      %dma_wait3A_197 = arith.constant 0 : i32
      %dma_wait3A_198 = tpu.memref_slice %arg4[%add3A_65, %dma_wait3A_197] : memref<8192x3072xf32, #tpu.memory_space<hbm>> -> memref<16x3072xf32, #tpu.memory_space<hbm>>
      %dma_wait3A_199 = arith.constant 0 : i32
      %dma_wait3A_200 = tpu.memref_slice %arg4[%add3A_65, %dma_wait3A_199] : memref<8192x3072xf32, #tpu.memory_space<hbm>> -> memref<16x3072xf32, #tpu.memory_space<hbm>>
      tpu.wait_dma2 semaphore(%run_scoped3A : memref<!tpu.dma_semaphore, #tpu.memory_space<semaphore_mem>>) src(%arg6 : memref<16x3072xf32, #tpu.memory_space<vmem>>) dst(%dma_wait3A_200 : memref<16x3072xf32, #tpu.memory_space<hbm>>)
      tpu.yield
    }) : () -> ()
    %dma_start3A_66 = arith.constant 96 : i32
    %dma_start3A_67 = tpu.memref_slice %arg5[%dma_start3A_66] : memref<256xi32, #tpu.memory_space<vmem>> -> memref<16xi32, #tpu.memory_space<vmem>>
    %dma_start3A_68 = arith.constant 0 : i32
    %dma_start3A_69 = arith.constant 0 : i32
    %dma_start3A_70 = tpu.memref_slice %arg3[%dma_start3A_68, %dma_start3A_69] : memref<2048x3072xf32, #tpu.memory_space<hbm>> -> memref<2048x3072xf32, #tpu.memory_space<hbm>>
    tpu.enqueue_indirect_dma source(%dma_start3A_70 : memref<2048x3072xf32, #tpu.memory_space<hbm>>) target(%arg6 : memref<16x3072xf32, #tpu.memory_space<vmem>>) offsets(%dma_start3A_67 : memref<16xi32, #tpu.memory_space<vmem>>) semaphore(%arg8 : memref<!tpu.dma_semaphore, #tpu.memory_space<semaphore_mem>>)
    %dma_wait3A_71 = arith.constant 80 : i32
    %dma_wait3A_72 = tpu.memref_slice %arg5[%dma_wait3A_71] : memref<256xi32, #tpu.memory_space<vmem>> -> memref<16xi32, #tpu.memory_space<vmem>>
    %dma_wait3A_73 = arith.constant 0 : i32
    %dma_wait3A_74 = arith.constant 0 : i32
    %dma_wait3A_75 = tpu.memref_slice %arg3[%dma_wait3A_73, %dma_wait3A_74] : memref<2048x3072xf32, #tpu.memory_space<hbm>> -> memref<2048x3072xf32, #tpu.memory_space<hbm>>
    tpu.wait_indirect_dma semaphore(%arg9 : memref<!tpu.dma_semaphore, #tpu.memory_space<semaphore_mem>>) src(%dma_wait3A_75 : memref<2048x3072xf32, #tpu.memory_space<hbm>>) dst(%arg7 : memref<16x3072xf32, #tpu.memory_space<vmem>>)
    %add3A_76 = arith.constant 80 : i32
    %add3A_77 = arith.addi %mul3A_2, %add3A_76 : i32
    "tpu.region"() ({
      %run_scoped3A = tpu.sem_alloc : memref<!tpu.dma_semaphore, #tpu.memory_space<semaphore_mem>>
      %dma_start3A_193 = arith.constant 0 : i32
      %dma_start3A_194 = tpu.memref_slice %arg4[%add3A_77, %dma_start3A_193] : memref<8192x3072xf32, #tpu.memory_space<hbm>> -> memref<16x3072xf32, #tpu.memory_space<hbm>>
      %dma_start3A_195 = arith.constant 0 : i32
      %dma_start3A_196 = tpu.memref_slice %arg4[%add3A_77, %dma_start3A_195] : memref<8192x3072xf32, #tpu.memory_space<hbm>> -> memref<16x3072xf32, #tpu.memory_space<hbm>>
      tpu.enqueue_dma source(%arg7 : memref<16x3072xf32, #tpu.memory_space<vmem>>) target(%dma_start3A_196 : memref<16x3072xf32, #tpu.memory_space<hbm>>) target_semaphore(%run_scoped3A : memref<!tpu.dma_semaphore, #tpu.memory_space<semaphore_mem>>)
      %dma_wait3A_197 = arith.constant 0 : i32
      %dma_wait3A_198 = tpu.memref_slice %arg4[%add3A_77, %dma_wait3A_197] : memref<8192x3072xf32, #tpu.memory_space<hbm>> -> memref<16x3072xf32, #tpu.memory_space<hbm>>
      %dma_wait3A_199 = arith.constant 0 : i32
      %dma_wait3A_200 = tpu.memref_slice %arg4[%add3A_77, %dma_wait3A_199] : memref<8192x3072xf32, #tpu.memory_space<hbm>> -> memref<16x3072xf32, #tpu.memory_space<hbm>>
      tpu.wait_dma2 semaphore(%run_scoped3A : memref<!tpu.dma_semaphore, #tpu.memory_space<semaphore_mem>>) src(%arg7 : memref<16x3072xf32, #tpu.memory_space<vmem>>) dst(%dma_wait3A_200 : memref<16x3072xf32, #tpu.memory_space<hbm>>)
      tpu.yield
    }) : () -> ()
    %dma_start3A_78 = arith.constant 112 : i32
    %dma_start3A_79 = tpu.memref_slice %arg5[%dma_start3A_78] : memref<256xi32, #tpu.memory_space<vmem>> -> memref<16xi32, #tpu.memory_space<vmem>>
    %dma_start3A_80 = arith.constant 0 : i32
    %dma_start3A_81 = arith.constant 0 : i32
    %dma_start3A_82 = tpu.memref_slice %arg3[%dma_start3A_80, %dma_start3A_81] : memref<2048x3072xf32, #tpu.memory_space<hbm>> -> memref<2048x3072xf32, #tpu.memory_space<hbm>>
    tpu.enqueue_indirect_dma source(%dma_start3A_82 : memref<2048x3072xf32, #tpu.memory_space<hbm>>) target(%arg7 : memref<16x3072xf32, #tpu.memory_space<vmem>>) offsets(%dma_start3A_79 : memref<16xi32, #tpu.memory_space<vmem>>) semaphore(%arg9 : memref<!tpu.dma_semaphore, #tpu.memory_space<semaphore_mem>>)
    %dma_wait3A_83 = arith.constant 96 : i32
    %dma_wait3A_84 = tpu.memref_slice %arg5[%dma_wait3A_83] : memref<256xi32, #tpu.memory_space<vmem>> -> memref<16xi32, #tpu.memory_space<vmem>>
    %dma_wait3A_85 = arith.constant 0 : i32
    %dma_wait3A_86 = arith.constant 0 : i32
    %dma_wait3A_87 = tpu.memref_slice %arg3[%dma_wait3A_85, %dma_wait3A_86] : memref<2048x3072xf32, #tpu.memory_space<hbm>> -> memref<2048x3072xf32, #tpu.memory_space<hbm>>
    tpu.wait_indirect_dma semaphore(%arg8 : memref<!tpu.dma_semaphore, #tpu.memory_space<semaphore_mem>>) src(%dma_wait3A_87 : memref<2048x3072xf32, #tpu.memory_space<hbm>>) dst(%arg6 : memref<16x3072xf32, #tpu.memory_space<vmem>>)
    %add3A_88 = arith.constant 96 : i32
    %add3A_89 = arith.addi %mul3A_2, %add3A_88 : i32
    "tpu.region"() ({
      %run_scoped3A = tpu.sem_alloc : memref<!tpu.dma_semaphore, #tpu.memory_space<semaphore_mem>>
      %dma_start3A_193 = arith.constant 0 : i32
      %dma_start3A_194 = tpu.memref_slice %arg4[%add3A_89, %dma_start3A_193] : memref<8192x3072xf32, #tpu.memory_space<hbm>> -> memref<16x3072xf32, #tpu.memory_space<hbm>>
      %dma_start3A_195 = arith.constant 0 : i32
      %dma_start3A_196 = tpu.memref_slice %arg4[%add3A_89, %dma_start3A_195] : memref<8192x3072xf32, #tpu.memory_space<hbm>> -> memref<16x3072xf32, #tpu.memory_space<hbm>>
      tpu.enqueue_dma source(%arg6 : memref<16x3072xf32, #tpu.memory_space<vmem>>) target(%dma_start3A_196 : memref<16x3072xf32, #tpu.memory_space<hbm>>) target_semaphore(%run_scoped3A : memref<!tpu.dma_semaphore, #tpu.memory_space<semaphore_mem>>)
      %dma_wait3A_197 = arith.constant 0 : i32
      %dma_wait3A_198 = tpu.memref_slice %arg4[%add3A_89, %dma_wait3A_197] : memref<8192x3072xf32, #tpu.memory_space<hbm>> -> memref<16x3072xf32, #tpu.memory_space<hbm>>
      %dma_wait3A_199 = arith.constant 0 : i32
      %dma_wait3A_200 = tpu.memref_slice %arg4[%add3A_89, %dma_wait3A_199] : memref<8192x3072xf32, #tpu.memory_space<hbm>> -> memref<16x3072xf32, #tpu.memory_space<hbm>>
      tpu.wait_dma2 semaphore(%run_scoped3A : memref<!tpu.dma_semaphore, #tpu.memory_space<semaphore_mem>>) src(%arg6 : memref<16x3072xf32, #tpu.memory_space<vmem>>) dst(%dma_wait3A_200 : memref<16x3072xf32, #tpu.memory_space<hbm>>)
      tpu.yield
    }) : () -> ()
    %dma_start3A_90 = arith.constant 128 : i32
    %dma_start3A_91 = tpu.memref_slice %arg5[%dma_start3A_90] : memref<256xi32, #tpu.memory_space<vmem>> -> memref<16xi32, #tpu.memory_space<vmem>>
    %dma_start3A_92 = arith.constant 0 : i32
    %dma_start3A_93 = arith.constant 0 : i32
    %dma_start3A_94 = tpu.memref_slice %arg3[%dma_start3A_92, %dma_start3A_93] : memref<2048x3072xf32, #tpu.memory_space<hbm>> -> memref<2048x3072xf32, #tpu.memory_space<hbm>>
    tpu.enqueue_indirect_dma source(%dma_start3A_94 : memref<2048x3072xf32, #tpu.memory_space<hbm>>) target(%arg6 : memref<16x3072xf32, #tpu.memory_space<vmem>>) offsets(%dma_start3A_91 : memref<16xi32, #tpu.memory_space<vmem>>) semaphore(%arg8 : memref<!tpu.dma_semaphore, #tpu.memory_space<semaphore_mem>>)
    %dma_wait3A_95 = arith.constant 112 : i32
    %dma_wait3A_96 = tpu.memref_slice %arg5[%dma_wait3A_95] : memref<256xi32, #tpu.memory_space<vmem>> -> memref<16xi32, #tpu.memory_space<vmem>>
    %dma_wait3A_97 = arith.constant 0 : i32
    %dma_wait3A_98 = arith.constant 0 : i32
    %dma_wait3A_99 = tpu.memref_slice %arg3[%dma_wait3A_97, %dma_wait3A_98] : memref<2048x3072xf32, #tpu.memory_space<hbm>> -> memref<2048x3072xf32, #tpu.memory_space<hbm>>
    tpu.wait_indirect_dma semaphore(%arg9 : memref<!tpu.dma_semaphore, #tpu.memory_space<semaphore_mem>>) src(%dma_wait3A_99 : memref<2048x3072xf32, #tpu.memory_space<hbm>>) dst(%arg7 : memref<16x3072xf32, #tpu.memory_space<vmem>>)
    %add3A_100 = arith.constant 112 : i32
    %add3A_101 = arith.addi %mul3A_2, %add3A_100 : i32
    "tpu.region"() ({
      %run_scoped3A = tpu.sem_alloc : memref<!tpu.dma_semaphore, #tpu.memory_space<semaphore_mem>>
      %dma_start3A_193 = arith.constant 0 : i32
      %dma_start3A_194 = tpu.memref_slice %arg4[%add3A_101, %dma_start3A_193] : memref<8192x3072xf32, #tpu.memory_space<hbm>> -> memref<16x3072xf32, #tpu.memory_space<hbm>>
      %dma_start3A_195 = arith.constant 0 : i32
      %dma_start3A_196 = tpu.memref_slice %arg4[%add3A_101, %dma_start3A_195] : memref<8192x3072xf32, #tpu.memory_space<hbm>> -> memref<16x3072xf32, #tpu.memory_space<hbm>>
      tpu.enqueue_dma source(%arg7 : memref<16x3072xf32, #tpu.memory_space<vmem>>) target(%dma_start3A_196 : memref<16x3072xf32, #tpu.memory_space<hbm>>) target_semaphore(%run_scoped3A : memref<!tpu.dma_semaphore, #tpu.memory_space<semaphore_mem>>)
      %dma_wait3A_197 = arith.constant 0 : i32
      %dma_wait3A_198 = tpu.memref_slice %arg4[%add3A_101, %dma_wait3A_197] : memref<8192x3072xf32, #tpu.memory_space<hbm>> -> memref<16x3072xf32, #tpu.memory_space<hbm>>
      %dma_wait3A_199 = arith.constant 0 : i32
      %dma_wait3A_200 = tpu.memref_slice %arg4[%add3A_101, %dma_wait3A_199] : memref<8192x3072xf32, #tpu.memory_space<hbm>> -> memref<16x3072xf32, #tpu.memory_space<hbm>>
      tpu.wait_dma2 semaphore(%run_scoped3A : memref<!tpu.dma_semaphore, #tpu.memory_space<semaphore_mem>>) src(%arg7 : memref<16x3072xf32, #tpu.memory_space<vmem>>) dst(%dma_wait3A_200 : memref<16x3072xf32, #tpu.memory_space<hbm>>)
      tpu.yield
    }) : () -> ()
    %dma_start3A_102 = arith.constant 144 : i32
    %dma_start3A_103 = tpu.memref_slice %arg5[%dma_start3A_102] : memref<256xi32, #tpu.memory_space<vmem>> -> memref<16xi32, #tpu.memory_space<vmem>>
    %dma_start3A_104 = arith.constant 0 : i32
    %dma_start3A_105 = arith.constant 0 : i32
    %dma_start3A_106 = tpu.memref_slice %arg3[%dma_start3A_104, %dma_start3A_105] : memref<2048x3072xf32, #tpu.memory_space<hbm>> -> memref<2048x3072xf32, #tpu.memory_space<hbm>>
    tpu.enqueue_indirect_dma source(%dma_start3A_106 : memref<2048x3072xf32, #tpu.memory_space<hbm>>) target(%arg7 : memref<16x3072xf32, #tpu.memory_space<vmem>>) offsets(%dma_start3A_103 : memref<16xi32, #tpu.memory_space<vmem>>) semaphore(%arg9 : memref<!tpu.dma_semaphore, #tpu.memory_space<semaphore_mem>>)
    %dma_wait3A_107 = arith.constant 128 : i32
    %dma_wait3A_108 = tpu.memref_slice %arg5[%dma_wait3A_107] : memref<256xi32, #tpu.memory_space<vmem>> -> memref<16xi32, #tpu.memory_space<vmem>>
    %dma_wait3A_109 = arith.constant 0 : i32
    %dma_wait3A_110 = arith.constant 0 : i32
    %dma_wait3A_111 = tpu.memref_slice %arg3[%dma_wait3A_109, %dma_wait3A_110] : memref<2048x3072xf32, #tpu.memory_space<hbm>> -> memref<2048x3072xf32, #tpu.memory_space<hbm>>
    tpu.wait_indirect_dma semaphore(%arg8 : memref<!tpu.dma_semaphore, #tpu.memory_space<semaphore_mem>>) src(%dma_wait3A_111 : memref<2048x3072xf32, #tpu.memory_space<hbm>>) dst(%arg6 : memref<16x3072xf32, #tpu.memory_space<vmem>>)
    %add3A_112 = arith.constant 128 : i32
    %add3A_113 = arith.addi %mul3A_2, %add3A_112 : i32
    "tpu.region"() ({
      %run_scoped3A = tpu.sem_alloc : memref<!tpu.dma_semaphore, #tpu.memory_space<semaphore_mem>>
      %dma_start3A_193 = arith.constant 0 : i32
      %dma_start3A_194 = tpu.memref_slice %arg4[%add3A_113, %dma_start3A_193] : memref<8192x3072xf32, #tpu.memory_space<hbm>> -> memref<16x3072xf32, #tpu.memory_space<hbm>>
      %dma_start3A_195 = arith.constant 0 : i32
      %dma_start3A_196 = tpu.memref_slice %arg4[%add3A_113, %dma_start3A_195] : memref<8192x3072xf32, #tpu.memory_space<hbm>> -> memref<16x3072xf32, #tpu.memory_space<hbm>>
      tpu.enqueue_dma source(%arg6 : memref<16x3072xf32, #tpu.memory_space<vmem>>) target(%dma_start3A_196 : memref<16x3072xf32, #tpu.memory_space<hbm>>) target_semaphore(%run_scoped3A : memref<!tpu.dma_semaphore, #tpu.memory_space<semaphore_mem>>)
      %dma_wait3A_197 = arith.constant 0 : i32
      %dma_wait3A_198 = tpu.memref_slice %arg4[%add3A_113, %dma_wait3A_197] : memref<8192x3072xf32, #tpu.memory_space<hbm>> -> memref<16x3072xf32, #tpu.memory_space<hbm>>
      %dma_wait3A_199 = arith.constant 0 : i32
      %dma_wait3A_200 = tpu.memref_slice %arg4[%add3A_113, %dma_wait3A_199] : memref<8192x3072xf32, #tpu.memory_space<hbm>> -> memref<16x3072xf32, #tpu.memory_space<hbm>>
      tpu.wait_dma2 semaphore(%run_scoped3A : memref<!tpu.dma_semaphore, #tpu.memory_space<semaphore_mem>>) src(%arg6 : memref<16x3072xf32, #tpu.memory_space<vmem>>) dst(%dma_wait3A_200 : memref<16x3072xf32, #tpu.memory_space<hbm>>)
      tpu.yield
    }) : () -> ()
    %dma_start3A_114 = arith.constant 160 : i32
    %dma_start3A_115 = tpu.memref_slice %arg5[%dma_start3A_114] : memref<256xi32, #tpu.memory_space<vmem>> -> memref<16xi32, #tpu.memory_space<vmem>>
    %dma_start3A_116 = arith.constant 0 : i32
    %dma_start3A_117 = arith.constant 0 : i32
    %dma_start3A_118 = tpu.memref_slice %arg3[%dma_start3A_116, %dma_start3A_117] : memref<2048x3072xf32, #tpu.memory_space<hbm>> -> memref<2048x3072xf32, #tpu.memory_space<hbm>>
    tpu.enqueue_indirect_dma source(%dma_start3A_118 : memref<2048x3072xf32, #tpu.memory_space<hbm>>) target(%arg6 : memref<16x3072xf32, #tpu.memory_space<vmem>>) offsets(%dma_start3A_115 : memref<16xi32, #tpu.memory_space<vmem>>) semaphore(%arg8 : memref<!tpu.dma_semaphore, #tpu.memory_space<semaphore_mem>>)
    %dma_wait3A_119 = arith.constant 144 : i32
    %dma_wait3A_120 = tpu.memref_slice %arg5[%dma_wait3A_119] : memref<256xi32, #tpu.memory_space<vmem>> -> memref<16xi32, #tpu.memory_space<vmem>>
    %dma_wait3A_121 = arith.constant 0 : i32
    %dma_wait3A_122 = arith.constant 0 : i32
    %dma_wait3A_123 = tpu.memref_slice %arg3[%dma_wait3A_121, %dma_wait3A_122] : memref<2048x3072xf32, #tpu.memory_space<hbm>> -> memref<2048x3072xf32, #tpu.memory_space<hbm>>
    tpu.wait_indirect_dma semaphore(%arg9 : memref<!tpu.dma_semaphore, #tpu.memory_space<semaphore_mem>>) src(%dma_wait3A_123 : memref<2048x3072xf32, #tpu.memory_space<hbm>>) dst(%arg7 : memref<16x3072xf32, #tpu.memory_space<vmem>>)
    %add3A_124 = arith.constant 144 : i32
    %add3A_125 = arith.addi %mul3A_2, %add3A_124 : i32
    "tpu.region"() ({
      %run_scoped3A = tpu.sem_alloc : memref<!tpu.dma_semaphore, #tpu.memory_space<semaphore_mem>>
      %dma_start3A_193 = arith.constant 0 : i32
      %dma_start3A_194 = tpu.memref_slice %arg4[%add3A_125, %dma_start3A_193] : memref<8192x3072xf32, #tpu.memory_space<hbm>> -> memref<16x3072xf32, #tpu.memory_space<hbm>>
      %dma_start3A_195 = arith.constant 0 : i32
      %dma_start3A_196 = tpu.memref_slice %arg4[%add3A_125, %dma_start3A_195] : memref<8192x3072xf32, #tpu.memory_space<hbm>> -> memref<16x3072xf32, #tpu.memory_space<hbm>>
      tpu.enqueue_dma source(%arg7 : memref<16x3072xf32, #tpu.memory_space<vmem>>) target(%dma_start3A_196 : memref<16x3072xf32, #tpu.memory_space<hbm>>) target_semaphore(%run_scoped3A : memref<!tpu.dma_semaphore, #tpu.memory_space<semaphore_mem>>)
      %dma_wait3A_197 = arith.constant 0 : i32
      %dma_wait3A_198 = tpu.memref_slice %arg4[%add3A_125, %dma_wait3A_197] : memref<8192x3072xf32, #tpu.memory_space<hbm>> -> memref<16x3072xf32, #tpu.memory_space<hbm>>
      %dma_wait3A_199 = arith.constant 0 : i32
      %dma_wait3A_200 = tpu.memref_slice %arg4[%add3A_125, %dma_wait3A_199] : memref<8192x3072xf32, #tpu.memory_space<hbm>> -> memref<16x3072xf32, #tpu.memory_space<hbm>>
      tpu.wait_dma2 semaphore(%run_scoped3A : memref<!tpu.dma_semaphore, #tpu.memory_space<semaphore_mem>>) src(%arg7 : memref<16x3072xf32, #tpu.memory_space<vmem>>) dst(%dma_wait3A_200 : memref<16x3072xf32, #tpu.memory_space<hbm>>)
      tpu.yield
    }) : () -> ()
    %dma_start3A_126 = arith.constant 176 : i32
    %dma_start3A_127 = tpu.memref_slice %arg5[%dma_start3A_126] : memref<256xi32, #tpu.memory_space<vmem>> -> memref<16xi32, #tpu.memory_space<vmem>>
    %dma_start3A_128 = arith.constant 0 : i32
    %dma_start3A_129 = arith.constant 0 : i32
    %dma_start3A_130 = tpu.memref_slice %arg3[%dma_start3A_128, %dma_start3A_129] : memref<2048x3072xf32, #tpu.memory_space<hbm>> -> memref<2048x3072xf32, #tpu.memory_space<hbm>>
    tpu.enqueue_indirect_dma source(%dma_start3A_130 : memref<2048x3072xf32, #tpu.memory_space<hbm>>) target(%arg7 : memref<16x3072xf32, #tpu.memory_space<vmem>>) offsets(%dma_start3A_127 : memref<16xi32, #tpu.memory_space<vmem>>) semaphore(%arg9 : memref<!tpu.dma_semaphore, #tpu.memory_space<semaphore_mem>>)
    %dma_wait3A_131 = arith.constant 160 : i32
    %dma_wait3A_132 = tpu.memref_slice %arg5[%dma_wait3A_131] : memref<256xi32, #tpu.memory_space<vmem>> -> memref<16xi32, #tpu.memory_space<vmem>>
    %dma_wait3A_133 = arith.constant 0 : i32
    %dma_wait3A_134 = arith.constant 0 : i32
    %dma_wait3A_135 = tpu.memref_slice %arg3[%dma_wait3A_133, %dma_wait3A_134] : memref<2048x3072xf32, #tpu.memory_space<hbm>> -> memref<2048x3072xf32, #tpu.memory_space<hbm>>
    tpu.wait_indirect_dma semaphore(%arg8 : memref<!tpu.dma_semaphore, #tpu.memory_space<semaphore_mem>>) src(%dma_wait3A_135 : memref<2048x3072xf32, #tpu.memory_space<hbm>>) dst(%arg6 : memref<16x3072xf32, #tpu.memory_space<vmem>>)
    %add3A_136 = arith.constant 160 : i32
    %add3A_137 = arith.addi %mul3A_2, %add3A_136 : i32
    "tpu.region"() ({
      %run_scoped3A = tpu.sem_alloc : memref<!tpu.dma_semaphore, #tpu.memory_space<semaphore_mem>>
      %dma_start3A_193 = arith.constant 0 : i32
      %dma_start3A_194 = tpu.memref_slice %arg4[%add3A_137, %dma_start3A_193] : memref<8192x3072xf32, #tpu.memory_space<hbm>> -> memref<16x3072xf32, #tpu.memory_space<hbm>>
      %dma_start3A_195 = arith.constant 0 : i32
      %dma_start3A_196 = tpu.memref_slice %arg4[%add3A_137, %dma_start3A_195] : memref<8192x3072xf32, #tpu.memory_space<hbm>> -> memref<16x3072xf32, #tpu.memory_space<hbm>>
      tpu.enqueue_dma source(%arg6 : memref<16x3072xf32, #tpu.memory_space<vmem>>) target(%dma_start3A_196 : memref<16x3072xf32, #tpu.memory_space<hbm>>) target_semaphore(%run_scoped3A : memref<!tpu.dma_semaphore, #tpu.memory_space<semaphore_mem>>)
      %dma_wait3A_197 = arith.constant 0 : i32
      %dma_wait3A_198 = tpu.memref_slice %arg4[%add3A_137, %dma_wait3A_197] : memref<8192x3072xf32, #tpu.memory_space<hbm>> -> memref<16x3072xf32, #tpu.memory_space<hbm>>
      %dma_wait3A_199 = arith.constant 0 : i32
      %dma_wait3A_200 = tpu.memref_slice %arg4[%add3A_137, %dma_wait3A_199] : memref<8192x3072xf32, #tpu.memory_space<hbm>> -> memref<16x3072xf32, #tpu.memory_space<hbm>>
      tpu.wait_dma2 semaphore(%run_scoped3A : memref<!tpu.dma_semaphore, #tpu.memory_space<semaphore_mem>>) src(%arg6 : memref<16x3072xf32, #tpu.memory_space<vmem>>) dst(%dma_wait3A_200 : memref<16x3072xf32, #tpu.memory_space<hbm>>)
      tpu.yield
    }) : () -> ()
    %dma_start3A_138 = arith.constant 192 : i32
    %dma_start3A_139 = tpu.memref_slice %arg5[%dma_start3A_138] : memref<256xi32, #tpu.memory_space<vmem>> -> memref<16xi32, #tpu.memory_space<vmem>>
    %dma_start3A_140 = arith.constant 0 : i32
    %dma_start3A_141 = arith.constant 0 : i32
    %dma_start3A_142 = tpu.memref_slice %arg3[%dma_start3A_140, %dma_start3A_141] : memref<2048x3072xf32, #tpu.memory_space<hbm>> -> memref<2048x3072xf32, #tpu.memory_space<hbm>>
    tpu.enqueue_indirect_dma source(%dma_start3A_142 : memref<2048x3072xf32, #tpu.memory_space<hbm>>) target(%arg6 : memref<16x3072xf32, #tpu.memory_space<vmem>>) offsets(%dma_start3A_139 : memref<16xi32, #tpu.memory_space<vmem>>) semaphore(%arg8 : memref<!tpu.dma_semaphore, #tpu.memory_space<semaphore_mem>>)
    %dma_wait3A_143 = arith.constant 176 : i32
    %dma_wait3A_144 = tpu.memref_slice %arg5[%dma_wait3A_143] : memref<256xi32, #tpu.memory_space<vmem>> -> memref<16xi32, #tpu.memory_space<vmem>>
    %dma_wait3A_145 = arith.constant 0 : i32
    %dma_wait3A_146 = arith.constant 0 : i32
    %dma_wait3A_147 = tpu.memref_slice %arg3[%dma_wait3A_145, %dma_wait3A_146] : memref<2048x3072xf32, #tpu.memory_space<hbm>> -> memref<2048x3072xf32, #tpu.memory_space<hbm>>
    tpu.wait_indirect_dma semaphore(%arg9 : memref<!tpu.dma_semaphore, #tpu.memory_space<semaphore_mem>>) src(%dma_wait3A_147 : memref<2048x3072xf32, #tpu.memory_space<hbm>>) dst(%arg7 : memref<16x3072xf32, #tpu.memory_space<vmem>>)
    %add3A_148 = arith.constant 176 : i32
    %add3A_149 = arith.addi %mul3A_2, %add3A_148 : i32
    "tpu.region"() ({
      %run_scoped3A = tpu.sem_alloc : memref<!tpu.dma_semaphore, #tpu.memory_space<semaphore_mem>>
      %dma_start3A_193 = arith.constant 0 : i32
      %dma_start3A_194 = tpu.memref_slice %arg4[%add3A_149, %dma_start3A_193] : memref<8192x3072xf32, #tpu.memory_space<hbm>> -> memref<16x3072xf32, #tpu.memory_space<hbm>>
      %dma_start3A_195 = arith.constant 0 : i32
      %dma_start3A_196 = tpu.memref_slice %arg4[%add3A_149, %dma_start3A_195] : memref<8192x3072xf32, #tpu.memory_space<hbm>> -> memref<16x3072xf32, #tpu.memory_space<hbm>>
      tpu.enqueue_dma source(%arg7 : memref<16x3072xf32, #tpu.memory_space<vmem>>) target(%dma_start3A_196 : memref<16x3072xf32, #tpu.memory_space<hbm>>) target_semaphore(%run_scoped3A : memref<!tpu.dma_semaphore, #tpu.memory_space<semaphore_mem>>)
      %dma_wait3A_197 = arith.constant 0 : i32
      %dma_wait3A_198 = tpu.memref_slice %arg4[%add3A_149, %dma_wait3A_197] : memref<8192x3072xf32, #tpu.memory_space<hbm>> -> memref<16x3072xf32, #tpu.memory_space<hbm>>
      %dma_wait3A_199 = arith.constant 0 : i32
      %dma_wait3A_200 = tpu.memref_slice %arg4[%add3A_149, %dma_wait3A_199] : memref<8192x3072xf32, #tpu.memory_space<hbm>> -> memref<16x3072xf32, #tpu.memory_space<hbm>>
      tpu.wait_dma2 semaphore(%run_scoped3A : memref<!tpu.dma_semaphore, #tpu.memory_space<semaphore_mem>>) src(%arg7 : memref<16x3072xf32, #tpu.memory_space<vmem>>) dst(%dma_wait3A_200 : memref<16x3072xf32, #tpu.memory_space<hbm>>)
      tpu.yield
    }) : () -> ()
    %dma_start3A_150 = arith.constant 208 : i32
    %dma_start3A_151 = tpu.memref_slice %arg5[%dma_start3A_150] : memref<256xi32, #tpu.memory_space<vmem>> -> memref<16xi32, #tpu.memory_space<vmem>>
    %dma_start3A_152 = arith.constant 0 : i32
    %dma_start3A_153 = arith.constant 0 : i32
    %dma_start3A_154 = tpu.memref_slice %arg3[%dma_start3A_152, %dma_start3A_153] : memref<2048x3072xf32, #tpu.memory_space<hbm>> -> memref<2048x3072xf32, #tpu.memory_space<hbm>>
    tpu.enqueue_indirect_dma source(%dma_start3A_154 : memref<2048x3072xf32, #tpu.memory_space<hbm>>) target(%arg7 : memref<16x3072xf32, #tpu.memory_space<vmem>>) offsets(%dma_start3A_151 : memref<16xi32, #tpu.memory_space<vmem>>) semaphore(%arg9 : memref<!tpu.dma_semaphore, #tpu.memory_space<semaphore_mem>>)
    %dma_wait3A_155 = arith.constant 192 : i32
    %dma_wait3A_156 = tpu.memref_slice %arg5[%dma_wait3A_155] : memref<256xi32, #tpu.memory_space<vmem>> -> memref<16xi32, #tpu.memory_space<vmem>>
    %dma_wait3A_157 = arith.constant 0 : i32
    %dma_wait3A_158 = arith.constant 0 : i32
    %dma_wait3A_159 = tpu.memref_slice %arg3[%dma_wait3A_157, %dma_wait3A_158] : memref<2048x3072xf32, #tpu.memory_space<hbm>> -> memref<2048x3072xf32, #tpu.memory_space<hbm>>
    tpu.wait_indirect_dma semaphore(%arg8 : memref<!tpu.dma_semaphore, #tpu.memory_space<semaphore_mem>>) src(%dma_wait3A_159 : memref<2048x3072xf32, #tpu.memory_space<hbm>>) dst(%arg6 : memref<16x3072xf32, #tpu.memory_space<vmem>>)
    %add3A_160 = arith.constant 192 : i32
    %add3A_161 = arith.addi %mul3A_2, %add3A_160 : i32
    "tpu.region"() ({
      %run_scoped3A = tpu.sem_alloc : memref<!tpu.dma_semaphore, #tpu.memory_space<semaphore_mem>>
      %dma_start3A_193 = arith.constant 0 : i32
      %dma_start3A_194 = tpu.memref_slice %arg4[%add3A_161, %dma_start3A_193] : memref<8192x3072xf32, #tpu.memory_space<hbm>> -> memref<16x3072xf32, #tpu.memory_space<hbm>>
      %dma_start3A_195 = arith.constant 0 : i32
      %dma_start3A_196 = tpu.memref_slice %arg4[%add3A_161, %dma_start3A_195] : memref<8192x3072xf32, #tpu.memory_space<hbm>> -> memref<16x3072xf32, #tpu.memory_space<hbm>>
      tpu.enqueue_dma source(%arg6 : memref<16x3072xf32, #tpu.memory_space<vmem>>) target(%dma_start3A_196 : memref<16x3072xf32, #tpu.memory_space<hbm>>) target_semaphore(%run_scoped3A : memref<!tpu.dma_semaphore, #tpu.memory_space<semaphore_mem>>)
      %dma_wait3A_197 = arith.constant 0 : i32
      %dma_wait3A_198 = tpu.memref_slice %arg4[%add3A_161, %dma_wait3A_197] : memref<8192x3072xf32, #tpu.memory_space<hbm>> -> memref<16x3072xf32, #tpu.memory_space<hbm>>
      %dma_wait3A_199 = arith.constant 0 : i32
      %dma_wait3A_200 = tpu.memref_slice %arg4[%add3A_161, %dma_wait3A_199] : memref<8192x3072xf32, #tpu.memory_space<hbm>> -> memref<16x3072xf32, #tpu.memory_space<hbm>>
      tpu.wait_dma2 semaphore(%run_scoped3A : memref<!tpu.dma_semaphore, #tpu.memory_space<semaphore_mem>>) src(%arg6 : memref<16x3072xf32, #tpu.memory_space<vmem>>) dst(%dma_wait3A_200 : memref<16x3072xf32, #tpu.memory_space<hbm>>)
      tpu.yield
    }) : () -> ()
    %dma_start3A_162 = arith.constant 224 : i32
    %dma_start3A_163 = tpu.memref_slice %arg5[%dma_start3A_162] : memref<256xi32, #tpu.memory_space<vmem>> -> memref<16xi32, #tpu.memory_space<vmem>>
    %dma_start3A_164 = arith.constant 0 : i32
    %dma_start3A_165 = arith.constant 0 : i32
    %dma_start3A_166 = tpu.memref_slice %arg3[%dma_start3A_164, %dma_start3A_165] : memref<2048x3072xf32, #tpu.memory_space<hbm>> -> memref<2048x3072xf32, #tpu.memory_space<hbm>>
    tpu.enqueue_indirect_dma source(%dma_start3A_166 : memref<2048x3072xf32, #tpu.memory_space<hbm>>) target(%arg6 : memref<16x3072xf32, #tpu.memory_space<vmem>>) offsets(%dma_start3A_163 : memref<16xi32, #tpu.memory_space<vmem>>) semaphore(%arg8 : memref<!tpu.dma_semaphore, #tpu.memory_space<semaphore_mem>>)
    %dma_wait3A_167 = arith.constant 208 : i32
    %dma_wait3A_168 = tpu.memref_slice %arg5[%dma_wait3A_167] : memref<256xi32, #tpu.memory_space<vmem>> -> memref<16xi32, #tpu.memory_space<vmem>>
    %dma_wait3A_169 = arith.constant 0 : i32
    %dma_wait3A_170 = arith.constant 0 : i32
    %dma_wait3A_171 = tpu.memref_slice %arg3[%dma_wait3A_169, %dma_wait3A_170] : memref<2048x3072xf32, #tpu.memory_space<hbm>> -> memref<2048x3072xf32, #tpu.memory_space<hbm>>
    tpu.wait_indirect_dma semaphore(%arg9 : memref<!tpu.dma_semaphore, #tpu.memory_space<semaphore_mem>>) src(%dma_wait3A_171 : memref<2048x3072xf32, #tpu.memory_space<hbm>>) dst(%arg7 : memref<16x3072xf32, #tpu.memory_space<vmem>>)
    %add3A_172 = arith.constant 208 : i32
    %add3A_173 = arith.addi %mul3A_2, %add3A_172 : i32
    "tpu.region"() ({
      %run_scoped3A = tpu.sem_alloc : memref<!tpu.dma_semaphore, #tpu.memory_space<semaphore_mem>>
      %dma_start3A_193 = arith.constant 0 : i32
      %dma_start3A_194 = tpu.memref_slice %arg4[%add3A_173, %dma_start3A_193] : memref<8192x3072xf32, #tpu.memory_space<hbm>> -> memref<16x3072xf32, #tpu.memory_space<hbm>>
      %dma_start3A_195 = arith.constant 0 : i32
      %dma_start3A_196 = tpu.memref_slice %arg4[%add3A_173, %dma_start3A_195] : memref<8192x3072xf32, #tpu.memory_space<hbm>> -> memref<16x3072xf32, #tpu.memory_space<hbm>>
      tpu.enqueue_dma source(%arg7 : memref<16x3072xf32, #tpu.memory_space<vmem>>) target(%dma_start3A_196 : memref<16x3072xf32, #tpu.memory_space<hbm>>) target_semaphore(%run_scoped3A : memref<!tpu.dma_semaphore, #tpu.memory_space<semaphore_mem>>)
      %dma_wait3A_197 = arith.constant 0 : i32
      %dma_wait3A_198 = tpu.memref_slice %arg4[%add3A_173, %dma_wait3A_197] : memref<8192x3072xf32, #tpu.memory_space<hbm>> -> memref<16x3072xf32, #tpu.memory_space<hbm>>
      %dma_wait3A_199 = arith.constant 0 : i32
      %dma_wait3A_200 = tpu.memref_slice %arg4[%add3A_173, %dma_wait3A_199] : memref<8192x3072xf32, #tpu.memory_space<hbm>> -> memref<16x3072xf32, #tpu.memory_space<hbm>>
      tpu.wait_dma2 semaphore(%run_scoped3A : memref<!tpu.dma_semaphore, #tpu.memory_space<semaphore_mem>>) src(%arg7 : memref<16x3072xf32, #tpu.memory_space<vmem>>) dst(%dma_wait3A_200 : memref<16x3072xf32, #tpu.memory_space<hbm>>)
      tpu.yield
    }) : () -> ()
    %dma_start3A_174 = arith.constant 240 : i32
    %dma_start3A_175 = tpu.memref_slice %arg5[%dma_start3A_174] : memref<256xi32, #tpu.memory_space<vmem>> -> memref<16xi32, #tpu.memory_space<vmem>>
    %dma_start3A_176 = arith.constant 0 : i32
    %dma_start3A_177 = arith.constant 0 : i32
    %dma_start3A_178 = tpu.memref_slice %arg3[%dma_start3A_176, %dma_start3A_177] : memref<2048x3072xf32, #tpu.memory_space<hbm>> -> memref<2048x3072xf32, #tpu.memory_space<hbm>>
    tpu.enqueue_indirect_dma source(%dma_start3A_178 : memref<2048x3072xf32, #tpu.memory_space<hbm>>) target(%arg7 : memref<16x3072xf32, #tpu.memory_space<vmem>>) offsets(%dma_start3A_175 : memref<16xi32, #tpu.memory_space<vmem>>) semaphore(%arg9 : memref<!tpu.dma_semaphore, #tpu.memory_space<semaphore_mem>>)
    %dma_wait3A_179 = arith.constant 224 : i32
    %dma_wait3A_180 = tpu.memref_slice %arg5[%dma_wait3A_179] : memref<256xi32, #tpu.memory_space<vmem>> -> memref<16xi32, #tpu.memory_space<vmem>>
    %dma_wait3A_181 = arith.constant 0 : i32
    %dma_wait3A_182 = arith.constant 0 : i32
    %dma_wait3A_183 = tpu.memref_slice %arg3[%dma_wait3A_181, %dma_wait3A_182] : memref<2048x3072xf32, #tpu.memory_space<hbm>> -> memref<2048x3072xf32, #tpu.memory_space<hbm>>
    tpu.wait_indirect_dma semaphore(%arg8 : memref<!tpu.dma_semaphore, #tpu.memory_space<semaphore_mem>>) src(%dma_wait3A_183 : memref<2048x3072xf32, #tpu.memory_space<hbm>>) dst(%arg6 : memref<16x3072xf32, #tpu.memory_space<vmem>>)
    %add3A_184 = arith.constant 224 : i32
    %add3A_185 = arith.addi %mul3A_2, %add3A_184 : i32
    "tpu.region"() ({
      %run_scoped3A = tpu.sem_alloc : memref<!tpu.dma_semaphore, #tpu.memory_space<semaphore_mem>>
      %dma_start3A_193 = arith.constant 0 : i32
      %dma_start3A_194 = tpu.memref_slice %arg4[%add3A_185, %dma_start3A_193] : memref<8192x3072xf32, #tpu.memory_space<hbm>> -> memref<16x3072xf32, #tpu.memory_space<hbm>>
      %dma_start3A_195 = arith.constant 0 : i32
      %dma_start3A_196 = tpu.memref_slice %arg4[%add3A_185, %dma_start3A_195] : memref<8192x3072xf32, #tpu.memory_space<hbm>> -> memref<16x3072xf32, #tpu.memory_space<hbm>>
      tpu.enqueue_dma source(%arg6 : memref<16x3072xf32, #tpu.memory_space<vmem>>) target(%dma_start3A_196 : memref<16x3072xf32, #tpu.memory_space<hbm>>) target_semaphore(%run_scoped3A : memref<!tpu.dma_semaphore, #tpu.memory_space<semaphore_mem>>)
      %dma_wait3A_197 = arith.constant 0 : i32
      %dma_wait3A_198 = tpu.memref_slice %arg4[%add3A_185, %dma_wait3A_197] : memref<8192x3072xf32, #tpu.memory_space<hbm>> -> memref<16x3072xf32, #tpu.memory_space<hbm>>
      %dma_wait3A_199 = arith.constant 0 : i32
      %dma_wait3A_200 = tpu.memref_slice %arg4[%add3A_185, %dma_wait3A_199] : memref<8192x3072xf32, #tpu.memory_space<hbm>> -> memref<16x3072xf32, #tpu.memory_space<hbm>>
      tpu.wait_dma2 semaphore(%run_scoped3A : memref<!tpu.dma_semaphore, #tpu.memory_space<semaphore_mem>>) src(%arg6 : memref<16x3072xf32, #tpu.memory_space<vmem>>) dst(%dma_wait3A_200 : memref<16x3072xf32, #tpu.memory_space<hbm>>)
      tpu.yield
    }) : () -> ()
    %dma_wait3A_186 = arith.constant 240 : i32
    %dma_wait3A_187 = tpu.memref_slice %arg5[%dma_wait3A_186] : memref<256xi32, #tpu.memory_space<vmem>> -> memref<16xi32, #tpu.memory_space<vmem>>
    %dma_wait3A_188 = arith.constant 0 : i32
    %dma_wait3A_189 = arith.constant 0 : i32
    %dma_wait3A_190 = tpu.memref_slice %arg3[%dma_wait3A_188, %dma_wait3A_189] : memref<2048x3072xf32, #tpu.memory_space<hbm>> -> memref<2048x3072xf32, #tpu.memory_space<hbm>>
    tpu.wait_indirect_dma semaphore(%arg9 : memref<!tpu.dma_semaphore, #tpu.memory_space<semaphore_mem>>) src(%dma_wait3A_190 : memref<2048x3072xf32, #tpu.memory_space<hbm>>) dst(%arg7 : memref<16x3072xf32, #tpu.memory_space<vmem>>)
    %add3A_191 = arith.constant 240 : i32
    %add3A_192 = arith.addi %mul3A_2, %add3A_191 : i32
    "tpu.region"() ({
      %run_scoped3A = tpu.sem_alloc : memref<!tpu.dma_semaphore, #tpu.memory_space<semaphore_mem>>
      %dma_start3A_193 = arith.constant 0 : i32
      %dma_start3A_194 = tpu.memref_slice %arg4[%add3A_192, %dma_start3A_193] : memref<8192x3072xf32, #tpu.memory_space<hbm>> -> memref<16x3072xf32, #tpu.memory_space<hbm>>
      %dma_start3A_195 = arith.constant 0 : i32
      %dma_start3A_196 = tpu.memref_slice %arg4[%add3A_192, %dma_start3A_195] : memref<8192x3072xf32, #tpu.memory_space<hbm>> -> memref<16x3072xf32, #tpu.memory_space<hbm>>
      tpu.enqueue_dma source(%arg7 : memref<16x3072xf32, #tpu.memory_space<vmem>>) target(%dma_start3A_196 : memref<16x3072xf32, #tpu.memory_space<hbm>>) target_semaphore(%run_scoped3A : memref<!tpu.dma_semaphore, #tpu.memory_space<semaphore_mem>>)
      %dma_wait3A_197 = arith.constant 0 : i32
      %dma_wait3A_198 = tpu.memref_slice %arg4[%add3A_192, %dma_wait3A_197] : memref<8192x3072xf32, #tpu.memory_space<hbm>> -> memref<16x3072xf32, #tpu.memory_space<hbm>>
      %dma_wait3A_199 = arith.constant 0 : i32
      %dma_wait3A_200 = tpu.memref_slice %arg4[%add3A_192, %dma_wait3A_199] : memref<8192x3072xf32, #tpu.memory_space<hbm>> -> memref<16x3072xf32, #tpu.memory_space<hbm>>
      tpu.wait_dma2 semaphore(%run_scoped3A : memref<!tpu.dma_semaphore, #tpu.memory_space<semaphore_mem>>) src(%arg7 : memref<16x3072xf32, #tpu.memory_space<vmem>>) dst(%dma_wait3A_200 : memref<16x3072xf32, #tpu.memory_space<hbm>>)
      tpu.yield
    }) : () -> ()
    return
  }
}

</mosaic_0001>

<sc_bundles>
// kernel: kernel.3.cloned.1.call-start
scs
__scs_entry_jumppad:
0x0: {  	(pc) =	sbr.rel $0x88, $3  }
0x1: {  	(tag) =	ssettag $0x0;
	lr =	simm.s32 $0x1  }
0x2: {  	[smem:$0x3F9F] =	sst lr;
	_ =	strace $0xD0000000  }
0x3: {  	_ = 	snop  }
0x4: {  	_ = 	snop  }
0x5: {  	_ = 	snop  }
0x6: {  	_ = 	snop  }
0x7: {  	_ = 	snop  }
__scs_overlays_trampoline_lowered:
0x8: {  	[smem:$0x3FAE] =	sst s0  }
0x9: {  	[smem:$0x3FAF] =	sst s1  }
0xa: {  	[smem:$0x3FB0] =	sst s2  }
0xb: {  	[smem:$0x3FB1] =	sst s3  }
0xc: {  	[smem:$0x3FB2] =	sst s4  }
0xd: {  	[smem:$0x3FB3] =	sst s5  }
0xe: {  	[smem:$0x3FB4] =	sst s6  }
0xf: {  	[smem:$0x3FB5] =	sst s7  }
0x10: {  	[smem:$0x3FB6] =	sst s8  }
0x11: {  	[smem:$0x3FB7] =	sst s9;
	s0 =	simm.s32 @!p0 $0x0  }
0x12: {  	s1 =	sld [smem:$0x3F9D];
	s0 =	simm.s32 @p0 $0x1  }
0x13: {  	[smem:$0x3FB8] =	sst s0;
	s0 =	simm.s32 @!p1 $0x0  }
0x14: {  	s2 =	sld [smem:$0x3F9C];
	s0 =	simm.s32 @p1 $0x1  }
0x15: {  	[smem:$0x3FB9] =	sst s0;
	s0 =	simm.s32 @!p2 $0x0  }
0x16: {  	s3 =	sld [smem:$0x3FDB];
	s0 =	simm.s32 @p2 $0x1  }
0x17: {  	s4 =	simm.s32 $0x1BF5;
	[smem:$0x3FBB] =	sst s0  }
0x18: {  	s0 =	sld [smem:$0x3F9E];
	_ =	swait.ge [sflag:s4], $0x0  }
0x19: {  	s7 =	sld [smem:$0x3F9F]  }
0x1a: {  	s8 =	sadd.s32 $0xFFFFE003, lr  }
0x1b: {  	s9 =	sadd.s32 $0xFFFFFEF7, lr;
	s5 =	simm.s32 $0xFFFFFFFF;
	p2 =	slt.u32 s8, $0xFFFFF086  }
0x1c: {  	p1 =	slt.u32 s9, $0xF7A;
	s5 =	simm.s32 @!p2 $0x0  }
0x1d: {  	s5 =	simm.s32 @p1 $0x1;
	p0 =	seq.s32 s7, s2  }
0x1e: {  	s7 =	smul.u32 @!p0 $0xF7A, s2;
	p2 =	seq.s32 @!p0 s5, $0x0  }
0x1f: {  	s9 =	smul.u32 $0xF7A, s1;
	s8 =	simm.s32 @!p0 $0x1BF5;
	p2 =	por !p2, p0  }
0x20: {  	[sflag:s8] =	ssyncset.s32 @!p0 $0xFFFFF086;
	s6 =	sadd.s32 @!p0 s3, s7;
	s7 =	simm.s32 @!p0 $0x108  }
0x21: {  	s3 =	sadd.s32 s3, s9;
	s6 =	sadd.s32 @!p0 $0x88, s6;
	s7 =	simm.s32 @p2 $0x1082  }
0x22: {  	[simem:s7], [sflag:s8] =	dma.local @!p0 [hbm:s6], $0xF7A  }
0x23: {  	s9 =	sor.u32 $0xD0000000, s2;
	s6 =	simm.s32 $0x108;
	_ =	swait.ge @!p0 [sflag:s8], $0x0  }
0x24: {  	s3 =	sadd.s32 $0x88, s3;
	s6 =	simm.s32 @!p1 $0x1082;
	[sflag:s4] =	ssyncset.s32 $0xFFFFF086  }
0x25: {  	[simem:s6], [sflag:s4] =	dma.local [hbm:s3], $0xF7A  }
0x26: {  	[smem:$0x3F9F] =	sst s1;
	(tag) =	ssettag s2;
	_ =	strace s9  }
0x27: {  	s1 =	sld [smem:$0x3FAF]  }
0x28: {  	s2 =	sld [smem:$0x3FB0]  }
0x29: {  	s4 =	sld [smem:$0x3FB2]  }
0x2a: {  	p0 =	seq.s32 s5, $0x0;
	s5 =	sld [smem:$0x3FB3]  }
0x2b: {  	s6 =	sld [smem:$0x3FB4]  }
0x2c: {  	s7 =	sld [smem:$0x3FB5]  }
0x2d: {  	s3 =	simm.s32 $0x108;
	s8 =	sld [smem:$0x3FB6]  }
0x2e: {  	s3 =	simm.s32 @!p0 $0x1082;
	s9 =	sld [smem:$0x3FB7]  }
0x2f: {  	lr =	sadd.s32 s0, s3;
	s0 =	sld [smem:$0x3FAE]  }
0x30: {  	s3 =	sld [smem:$0x3FB1]  }
0x31: {  	[smem:$0x3FBA] =	sst s10  }
0x32: {  	s10 =	sld [smem:$0x3FB8];
	_ =	sdelay $0x3  }
0x33: {  	p0 =	seq.s32 s10, $0x1;
	s10 =	sld [smem:$0x3FBA];
	_ =	sdelay $0x3  }
0x34: {  	[smem:$0x3FBA] =	sst s10  }
0x35: {  	s10 =	sld [smem:$0x3FB9];
	_ =	sdelay $0x3  }
0x36: {  	p1 =	seq.s32 s10, $0x1;
	s10 =	sld [smem:$0x3FBA];
	_ =	sdelay $0x3  }
0x37: {  	[smem:$0x3FBA] =	sst s10  }
0x38: {  	s10 =	sld [smem:$0x3FBB]  }
0x39: {  	_ = 	snop;
	(pc) =	sbr.ind lr, $3  }
0x3a: {  	_ = 	snop  }
0x3b: {  	_ = 	snop  }
0x3c: {  	p2 =	seq.s32 s10, $0x1;
	s10 =	sld [smem:$0x3FBA]  }
0x3d: {  	_ =	shalt  }
0x3e: {  	_ =	shalt  }
0x3f: {  	_ =	shalt  }
0x40: {  	_ =	shalt  }
0x41: {  	_ =	shalt  }
0x42: {  	_ =	shalt  }
0x43: {  	_ =	shalt  }
0x44: {  	_ =	shalt  }
0x45: {  	_ =	shalt  }
0x46: {  	_ =	shalt  }
0x47: {  	_ =	shalt  }
0x48: {  	_ =	shalt  }
0x49: {  	_ =	shalt  }
0x4a: {  	_ =	shalt  }
0x4b: {  	_ =	shalt  }
0x4c: {  	_ =	shalt  }
0x4d: {  	_ =	shalt  }
0x4e: {  	_ =	shalt  }
0x4f: {  	_ =	shalt  }
0x50: {  	_ =	shalt  }
0x51: {  	_ =	shalt  }
0x52: {  	_ =	shalt  }
0x53: {  	_ =	shalt  }
0x54: {  	_ =	shalt  }
0x55: {  	_ =	shalt  }
0x56: {  	_ =	shalt  }
0x57: {  	_ =	shalt  }
0x58: {  	_ =	shalt  }
0x59: {  	_ =	shalt  }
0x5a: {  	_ =	shalt  }
0x5b: {  	_ =	shalt  }
0x5c: {  	_ =	shalt  }
0x5d: {  	_ =	shalt  }
0x5e: {  	_ =	shalt  }
0x5f: {  	_ =	shalt  }
0x60: {  	_ =	shalt  }
0x61: {  	_ =	shalt  }
0x62: {  	_ =	shalt  }
0x63: {  	_ =	shalt  }
0x64: {  	_ =	shalt  }
0x65: {  	_ =	shalt  }
0x66: {  	_ =	shalt  }
0x67: {  	_ =	shalt  }
0x68: {  	_ =	shalt  }
0x69: {  	_ =	shalt  }
0x6a: {  	_ =	shalt  }
0x6b: {  	_ =	shalt  }
0x6c: {  	_ =	shalt  }
0x6d: {  	_ =	shalt  }
0x6e: {  	_ =	shalt  }
0x6f: {  	_ =	shalt  }
0x70: {  	_ =	shalt  }
0x71: {  	_ =	shalt  }
0x72: {  	_ =	shalt  }
0x73: {  	_ =	shalt  }
0x74: {  	_ =	shalt  }
0x75: {  	_ =	shalt  }
0x76: {  	_ =	shalt  }
0x77: {  	_ =	shalt  }
0x78: {  	_ =	shalt  }
0x79: {  	_ =	shalt  }
0x7a: {  	_ =	shalt  }
0x7b: {  	_ =	shalt  }
0x7c: {  	_ =	shalt  }
0x7d: {  	_ =	shalt  }
0x7e: {  	_ =	shalt  }
0x7f: {  	_ =	shalt  }
0x80: {  	_ =	shalt  }
0x81: {  	_ =	shalt  }
0x82: {  	_ =	shalt  }
0x83: {  	_ =	shalt  }
0x84: {  	_ =	shalt  }
0x85: {  	_ =	shalt  }
0x86: {  	_ =	shalt  }
0x87: {  	_ =	shalt  }
.Lfunc_end0:
.L_simem_size_0:
called_computation_lowered:
.L_overlay_start_0:
0x88: {  	s2 =	sld [smem:$0x3FD9]  }
0x89: {  	s3 =	sld [smem:$0x3FFE];
	_ =	sdelay $0x1  }
0x8a: {  	s1 =	srdreg.scid  }
0x8b: {  	s0 =	sand.u32 $0x1, s1  }
0x8c: {  	s17 =	sshll.u32 s0, $0xA;
	s2 =	sadd.s32 s3, s2  }
0x8d: {  	s2 =	sadd.s32 s2, s17  }
0x8e: {  	[smem:$0x3FC6] =	sst s2  }
0x8f: {  	_ = 	snop  }
0x90: {  	s2 =	sld [smem:$0x3FD0];
	(tm) =	ssettm $0x1  }
0x91: {  	s18 =	sld [smem:$0x3FFB];
	_ =	sdelay $0x3  }
0x92: {  	_ =	strace s18  }
0x93: {  	s3 =	sld [smem:$0x3FFC];
	_ =	sdelay $0x3  }
0x94: {  	_ =	strace s3  }
0x95: {  	s3 =	sld [smem:$0x3FFD];
	_ =	sdelay $0x3  }
0x96: {  	_ =	strace s3  }
0x97: {  	_ =	strace $0x8FFFFFFF  }
0x98: {  	s19 =	sld [smem:$0x3FDB];
	_ =	sdelay $0x1  }
0x99: {  	s4 =	simm.s32 $_scs_section_size  }
0x9a: {  	s5 =	simm.s32 $_size__tile_overlayer_lowered;
	s6 =	simm.s32 $_tile_overlayer_lowered  }
0x9b: {  	s22 =	simm.s32 $0x1BFF;
	s21 =	sshll.u32 s6, $0x1;
	s3 =	sadd.s32 s4, s19  }
0x9c: {  	s7 =	simm.s32 $0x0;
	s20 =	sshll.u32 s5, $0x1;
	s5 =	sadd.s32 s21, s3  }
0x9d: {  	[timem:s7], [sflag:s22] =	dma.local [hbm:s5], s20  }
0x9e: {  	_ =	swait.ge [sflag:s22], s20  }
0x9f: {  	s4 =	ssub.s32 $0x0, s20;
	[sflag:s22] =	ssyncset.done $0x0  }
0xa0: {  	[sflag:s22] =	ssyncadd.s32 s4;
	_ =	sdelay $0x1  }
0xa1: {  	s23 =	simm.s32 $0x1B8B  }
0xa2: {  	_ =	swait.ge [sflag:s23], $0x1  }
0xa3: {  	[sflag:s23] =	ssyncset.done $0x0  }
0xa4: {  	s25 =	simm.s32 $0x1B8E;
	s24 =	sld [smem:$0x3FFE];
	[sflag:s23] =	ssyncadd.s32 $0xFFFFFFFF  }
0xa5: {  	s26 =	simm.s32 $execute0_lowered;
	[smem:$0x3FD2] =	sst s25  }
0xa6: {  	s5 =	sshll.u32 s26, $0x1;
	_ =	strace $0x80000046;
	[dreg:$0x1] =	wrdreg $0xFFFFFFFF  }
0xa7: {  	s28 =	simm.s32 $_size_execute0_lowered;
	s3 =	sadd.s32 s3, s5;
	[dreg:$0x0] =	wrdreg $0x0  }
0xa8: {  	s5 =	sshll.u32 s28, $0x1;
	[dreg:$0x2] =	wrdreg s3  }
0xa9: {  	[dreg:$0x3] =	wrdreg s5  }
0xaa: {  	[dreg:$0x4] =	wrdreg $0xC0  }
0xab: {  	_ =	task [dreg:s7], $0x5FFFF  }
0xac: {  	[dreg:$0x1] =	wrdreg $0xFFFFFFFF  }
0xad: {  	[dreg:$0x0] =	wrdreg $0x60  }
0xae: {  	[dreg:$0x2] =	wrdreg s24  }
0xaf: {  	[dreg:$0x3] =	wrdreg s2  }
0xb0: {  	[dreg:$0x4] =	wrdreg $0x9  }
0xb1: {  	_ =	task.clear_ibuf [dreg:s7], $0x5FFFF;
	_ =	strace $0x90000046  }
0xb2: {  	s29 =	simm.s32 $0x9;
	_ =	strace $0x80000048  }
0xb3: {  	_ =	swait.ge [sflag:s29], $0x1  }
0xb4: {  	[sflag:s29] =	ssyncadd.s32 $0xFFFFFFFF  }
0xb5: {  	_ =	strace $0x90000048  }
0xb6: {  	_ =	sfence  }
0xb7: {  	s30 =	sld [smem:$0x0];
	_ =	sdelay $0x2  }
0xb8: {  	s31 =	sshll.u32 s1, $0xD;
	s1 =	sshrl.u32 s1, $0x2  }
0xb9: {  	s3 =	sand.u32 $0x4000, s31;
	s1 =	sadd.s32 s1, s30  }
0xba: {  	s0 =	sor.u32 s3, s0;
	s1 =	sshll.u32 s1, $0x11  }
0xbb: {  	s0 =	sor.u32 s1, s0  }
0xbc: {  	s0 =	sadd.s32 $0x8F2B, s0  }
0xbd: {  	[sflag:s0] =	ssyncadd.remote.s32 $0x1  }
0xbe: {  	_ =	sfence.sel $0xFFFF  }
0xbf: {  	[dreg:$0x0] =	wrdreg $0xFFFFFFFF;
	(pc) =	sbr.abs _section_cstart, $3  }
0xc0: {  	[dreg:$0x1] =	wrdreg $0xFFFFFFFF  }
0xc1: {  	_ =	task.clear_ibuf [dreg:s7], $0x2FFFF;
	_ =	strace $0x9FFFFFFF  }
0xc2: {  	(tm) =	ssettm $0x7FFFFFFF  }
0xc3: {  	_ =	shalt  }
tec
execute0_lowered:
.L_overlay_start_1:
0x0: {  	(tag) =	ssettag $0x1  }
0x1: {  	s0 =	srdreg.scid  }
0x2: {  	s1 =	rddreg [dreg:$0x0];
	s3 =	stileid.u32  }
0x3: {  	s2 =	rddreg [dreg:$0x1];
	s0 =	sand.u32 $0x1, s0;
	s4 =	sshll.u32 s3, $0x6  }
0x4: {  	s3 =	simm.s32 $0x0;
	s8 =	sadd.s32 $0x400, s2;
	s5 =	sshll.u32 s0, $0x5  }
0x5: {  	s9 =	sadd.s32 $0x500, s2;
	s10 =	sadd.s32 $0x600, s2;
	s4 =	sor.u32 s5, s4  }
0x6: {  	s11 =	sadd.s32 $0x700, s2;
	s5 =	smul.u32 $0xC00, s4;
	s6 =	sadd.s32 s4, s1  }
0x7: {  	[smem:$0x7FF] =	sst s3;
	s1 =	sadd.s32 $0x800, s1;
	s6 =	sadd.s32 $0x400, s6  }
0x8: {  	_ =	strace $0x80000047;
	s7 =	sadd.s32 s1, s5;
	[dreg:$0x3] =	wrdreg s6  }
0x9: {  	s12 =	sadd.s32 $0x800, s2;
	s18 =	sadd.s32 $0x1800, s7;
	[dreg:$0x13] =	wrdreg s7  }
0xa: {  	s4 =	smul.u32 $0x6000, s4;
	s19 =	sadd.s32 $0x3000, s7;
	[dreg:$0x4] =	wrdreg s18  }
0xb: {  	s13 =	sadd.s32 $0x900, s2;
	s20 =	sadd.s32 $0x4800, s7;
	[dreg:$0x5] =	wrdreg s19  }
0xc: {  	s4 =	sshrl.u32 s4, $0x3;
	s21 =	sadd.s32 $0x6000, s7;
	[dreg:$0x6] =	wrdreg s20  }
0xd: {  	s22 =	sadd.s32 $0x7800, s7;
	s1 =	sadd.s32 s1, s4;
	[dreg:$0x7] =	wrdreg s21  }
0xe: {  	s14 =	sadd.s32 $0xA00, s2;
	[dreg:$0x8] =	wrdreg s22;
	s4 =	sadd.s32 $0x9000, s1  }
0xf: {  	s15 =	sadd.s32 $0xB00, s2;
	s23 =	sadd.s32 $0xA800, s1;
	[dreg:$0x9] =	wrdreg s4  }
0x10: {  	s0 =	ssub.s32 $0x2, s0;
	s24 =	sadd.s32 $0xC000, s1;
	[dreg:$0xa] =	wrdreg s23  }
0x11: {  	s17 =	sshrl.u32 s0, $0x1;
	s25 =	sadd.s32 $0xD800, s1;
	[dreg:$0xb] =	wrdreg s24  }
0x12: {  	s0 =	ssub.s32 s0, s17;
	s26 =	sadd.s32 $0xF000, s1;
	[dreg:$0xc] =	wrdreg s25  }
0x13: {  	s17 =	simm.s32 $0x3;
	s28 =	sadd.s32 $0x10800, s1;
	[dreg:$0xd] =	wrdreg s26  }
0x14: {  	s0 =	smax.u32 s0, $0x1;
	s29 =	sadd.s32 $0x12000, s1;
	[dreg:$0xe] =	wrdreg s28  }
0x15: {  	s5 =	sadd.s32 $0x100, s2;
	s30 =	sadd.s32 $0x13800, s1;
	[dreg:$0xf] =	wrdreg s29  }
0x16: {  	v2 =	vlaneseq.u32;
	s6 =	sadd.s32 $0x200, s2;
	s31 =	sadd.s32 $0x15000, s1;
	[dreg:$0x10] =	wrdreg s30  }
0x17: {  	vm0 =	vmmov $0xffff;
	v1 =	vshrl.u32 v2, $0x3;
	s7 =	sadd.s32 $0x300, s2;
	s1 =	sadd.s32 $0x16800, s1;
	[dreg:$0x11] =	wrdreg s31  }
0x18: {  	v0 =	vand.u32 $0x7, v2;
	v2 =	vor.u32 $0x8, v2;
	v1 =	vmul.u32 $0x8, v1;
	s22 =	simm.s32 $0x1;
	[dreg:$0x12] =	wrdreg s1;
	s23 =	simm.s32 $0x2  }
.LBB2_1:
0x19: {  	[dreg:$0x14] =	wrdreg s0  }
0x1a: {  	s24 =	rddreg [dreg:$0x3]  }
0x1b: {  	[tilespmem:s3], [sflag:$0x3] =	stream.linear.gather [hbm4b:s24+s3], $0x100, $0x38;
	[tilespmem:$0x18100] =	vst v63  }
0x1c: {  	_ =	swait.ge [sflag:s17], $0x100  }
0x1d: {  	[sflag:s17] =	ssyncset.done $0x0  }
0x1e: {  	[sflag:s17] =	ssyncadd.s32 $0xFFFFFF00  }
0x1f: {  	v3 =	vld [tilespmem:$0x0];
	_ =	sdelay $0x4  }
0x20: {  	v4 =	vshrl.u32 v3, $0x3  }
0x21: {  	v4 =	vmul.u32 $0xC0, v4  }
0x22: {  	v3 =	vand.u32 $0x7, v3  }
0x23: {  	v3 =	vor.u32 v3, v4  }
0x24: {  	v4 =	vperm.xlane v3, v0;
	_ =	sdelay $0x1  }
0x25: {  	v4 =	vadd.s32 v1, v4;
	_ =	sdelay $0x3  }
0x26: {  	s18 =	simm.s32 $0x100  }
0x27: {  	[tilespmem:s18], [sflag:$0x1] =	stream.indirect_vreg.gather [hbm4b:s2+s3], $0x80, v4, vm0, $0xb8;
	[tilespmem:$0x18100] =	vst v63  }
0x28: {  	s19 =	simm.s32 $0x900  }
0x29: {  	[tilespmem:s19], [sflag:$0x1] =	stream.indirect_vreg.gather [hbm4b:s5+s3], $0x80, v4, vm0, $0xb8;
	[tilespmem:$0x18100] =	vst v63  }
0x2a: {  	s20 =	simm.s32 $0x1100  }
0x2b: {  	[tilespmem:s20], [sflag:$0x1] =	stream.indirect_vreg.gather [hbm4b:s6+s3], $0x80, v4, vm0, $0xb8;
	[tilespmem:$0x18100] =	vst v63  }
0x2c: {  	s21 =	simm.s32 $0x1900  }
0x2d: {  	[tilespmem:s21], [sflag:$0x1] =	stream.indirect_vreg.gather [hbm4b:s7+s3], $0x80, v4, vm0, $0xb8;
	[tilespmem:$0x18100] =	vst v63  }
0x2e: {  	s24 =	simm.s32 $0x2100  }
0x2f: {  	[tilespmem:s24], [sflag:$0x1] =	stream.indirect_vreg.gather [hbm4b:s8+s3], $0x80, v4, vm0, $0xb8;
	[tilespmem:$0x18100] =	vst v63  }
0x30: {  	s25 =	simm.s32 $0x2900  }
0x31: {  	[tilespmem:s25], [sflag:$0x1] =	stream.indirect_vreg.gather [hbm4b:s9+s3], $0x80, v4, vm0, $0xb8;
	[tilespmem:$0x18100] =	vst v63  }
0x32: {  	s26 =	simm.s32 $0x3100  }
0x33: {  	[tilespmem:s26], [sflag:$0x1] =	stream.indirect_vreg.gather [hbm4b:s10+s3], $0x80, v4, vm0, $0xb8;
	[tilespmem:$0x18100] =	vst v63  }
0x34: {  	s28 =	simm.s32 $0x3900  }
0x35: {  	[tilespmem:s28], [sflag:$0x1] =	stream.indirect_vreg.gather [hbm4b:s11+s3], $0x80, v4, vm0, $0xb8;
	[tilespmem:$0x18100] =	vst v63  }
0x36: {  	s29 =	simm.s32 $0x4100  }
0x37: {  	[tilespmem:s29], [sflag:$0x1] =	stream.indirect_vreg.gather [hbm4b:s12+s3], $0x80, v4, vm0, $0xb8;
	[tilespmem:$0x18100] =	vst v63  }
0x38: {  	s30 =	simm.s32 $0x4900;
	v3 =	vperm.xlane v3, v2  }
0x39: {  	[tilespmem:s30], [sflag:$0x1] =	stream.indirect_vreg.gather [hbm4b:s13+s3], $0x80, v4, vm0, $0xb8;
	[tilespmem:$0x18100] =	vst v63  }
0x3a: {  	s31 =	simm.s32 $0x5100;
	v3 =	vadd.s32 v1, v3  }
0x3b: {  	[tilespmem:s31], [sflag:$0x1] =	stream.indirect_vreg.gather [hbm4b:s14+s3], $0x80, v4, vm0, $0xb8;
	[tilespmem:$0x18100] =	vst v63  }
0x3c: {  	s1 =	simm.s32 $0x5900  }
0x3d: {  	[tilespmem:s1], [sflag:$0x1] =	stream.indirect_vreg.gather [hbm4b:s15+s3], $0x80, v4, vm0, $0xb8;
	[tilespmem:$0x18100] =	vst v63  }
0x3e: {  	s4 =	simm.s32 $0x6100  }
0x3f: {  	[tilespmem:s4], [sflag:$0x1] =	stream.indirect_vreg.gather [hbm4b:s2+s3], $0x80, v3, vm0, $0xb8;
	[tilespmem:$0x18100] =	vst v63  }
0x40: {  	s16 =	simm.s32 $0x6900  }
0x41: {  	[tilespmem:s16], [sflag:$0x1] =	stream.indirect_vreg.gather [hbm4b:s5+s3], $0x80, v3, vm0, $0xb8;
	[tilespmem:$0x18100] =	vst v63  }
0x42: {  	s19 =	simm.s32 $0x7100  }
0x43: {  	[tilespmem:s19], [sflag:$0x1] =	stream.indirect_vreg.gather [hbm4b:s6+s3], $0x80, v3, vm0, $0xb8;
	[tilespmem:$0x18100] =	vst v63  }
0x44: {  	s20 =	simm.s32 $0x7900  }
0x45: {  	[tilespmem:s20], [sflag:$0x1] =	stream.indirect_vreg.gather [hbm4b:s7+s3], $0x80, v3, vm0, $0xb8;
	[tilespmem:$0x18100] =	vst v63  }
0x46: {  	s21 =	simm.s32 $0x8100  }
0x47: {  	[tilespmem:s21], [sflag:$0x1] =	stream.indirect_vreg.gather [hbm4b:s8+s3], $0x80, v3, vm0, $0xb8;
	[tilespmem:$0x18100] =	vst v63  }
0x48: {  	s24 =	simm.s32 $0x8900  }
0x49: {  	[tilespmem:s24], [sflag:$0x1] =	stream.indirect_vreg.gather [hbm4b:s9+s3], $0x80, v3, vm0, $0xb8;
	[tilespmem:$0x18100] =	vst v63  }
0x4a: {  	s25 =	simm.s32 $0x9100  }
0x4b: {  	[tilespmem:s25], [sflag:$0x1] =	stream.indirect_vreg.gather [hbm4b:s10+s3], $0x80, v3, vm0, $0xb8;
	[tilespmem:$0x18100] =	vst v63  }
0x4c: {  	s28 =	simm.s32 $0x9900  }
0x4d: {  	[tilespmem:s28], [sflag:$0x1] =	stream.indirect_vreg.gather [hbm4b:s11+s3], $0x80, v3, vm0, $0xb8;
	[tilespmem:$0x18100] =	vst v63  }
0x4e: {  	s29 =	simm.s32 $0xA100  }
0x4f: {  	[tilespmem:s29], [sflag:$0x1] =	stream.indirect_vreg.gather [hbm4b:s12+s3], $0x80, v3, vm0, $0xb8;
	[tilespmem:$0x18100] =	vst v63  }
0x50: {  	s30 =	simm.s32 $0xA900  }
0x51: {  	[tilespmem:s30], [sflag:$0x1] =	stream.indirect_vreg.gather [hbm4b:s13+s3], $0x80, v3, vm0, $0xb8;
	[tilespmem:$0x18100] =	vst v63  }
0x52: {  	s31 =	simm.s32 $0xB100  }
0x53: {  	[tilespmem:s31], [sflag:$0x1] =	stream.indirect_vreg.gather [hbm4b:s14+s3], $0x80, v3, vm0, $0xb8;
	[tilespmem:$0x18100] =	vst v63  }
0x54: {  	s1 =	simm.s32 $0xB900  }
0x55: {  	[tilespmem:s1], [sflag:$0x1] =	stream.indirect_vreg.gather [hbm4b:s15+s3], $0x80, v3, vm0, $0xb8;
	[tilespmem:$0x18100] =	vst v63  }
0x56: {  	v3 =	vld [tilespmem:$0x10];
	_ =	sdelay $0x4  }
0x57: {  	v49 =	vshrl.u32 v3, $0x3  }
0x58: {  	v4 =	vmul.u32 $0xC0, v49  }
0x59: {  	v3 =	vand.u32 $0x7, v3  }
0x5a: {  	v3 =	vor.u32 v3, v4  }
0x5b: {  	v4 =	vperm.xlane v3, v0;
	_ =	sdelay $0x1  }
0x5c: {  	v4 =	vadd.s32 v1, v4;
	_ =	sdelay $0x3  }
0x5d: {  	s4 =	simm.s32 $0xC100  }
0x5e: {  	[tilespmem:s4], [sflag:$0x2] =	stream.indirect_vreg.gather [hbm4b:s2+s3], $0x80, v4, vm0, $0xb8;
	[tilespmem:$0x18100] =	vst v63  }
0x5f: {  	s16 =	simm.s32 $0xC900  }
0x60: {  	[tilespmem:s16], [sflag:$0x2] =	stream.indirect_vreg.gather [hbm4b:s5+s3], $0x80, v4, vm0, $0xb8;
	[tilespmem:$0x18100] =	vst v63  }
0x61: {  	s19 =	simm.s32 $0xD100  }
0x62: {  	[tilespmem:s19], [sflag:$0x2] =	stream.indirect_vreg.gather [hbm4b:s6+s3], $0x80, v4, vm0, $0xb8;
	[tilespmem:$0x18100] =	vst v63  }
0x63: {  	s20 =	simm.s32 $0xD900  }
0x64: {  	[tilespmem:s20], [sflag:$0x2] =	stream.indirect_vreg.gather [hbm4b:s7+s3], $0x80, v4, vm0, $0xb8;
	[tilespmem:$0x18100] =	vst v63  }
0x65: {  	s21 =	simm.s32 $0xE100  }
0x66: {  	[tilespmem:s21], [sflag:$0x2] =	stream.indirect_vreg.gather [hbm4b:s8+s3], $0x80, v4, vm0, $0xb8;
	[tilespmem:$0x18100] =	vst v63  }
0x67: {  	s25 =	simm.s32 $0xE900  }
0x68: {  	[tilespmem:s25], [sflag:$0x2] =	stream.indirect_vreg.gather [hbm4b:s9+s3], $0x80, v4, vm0, $0xb8;
	[tilespmem:$0x18100] =	vst v63  }
0x69: {  	s28 =	simm.s32 $0xF100  }
0x6a: {  	[tilespmem:s28], [sflag:$0x2] =	stream.indirect_vreg.gather [hbm4b:s10+s3], $0x80, v4, vm0, $0xb8;
	[tilespmem:$0x18100] =	vst v63  }
0x6b: {  	s29 =	simm.s32 $0xF900  }
0x6c: {  	[tilespmem:s29], [sflag:$0x2] =	stream.indirect_vreg.gather [hbm4b:s11+s3], $0x80, v4, vm0, $0xb8;
	[tilespmem:$0x18100] =	vst v63  }
0x6d: {  	s30 =	simm.s32 $0x10100  }
0x6e: {  	[tilespmem:s30], [sflag:$0x2] =	stream.indirect_vreg.gather [hbm4b:s12+s3], $0x80, v4, vm0, $0xb8;
	[tilespmem:$0x18100] =	vst v63  }
0x6f: {  	s31 =	simm.s32 $0x10900;
	v3 =	vperm.xlane v3, v2  }
0x70: {  	[tilespmem:s31], [sflag:$0x2] =	stream.indirect_vreg.gather [hbm4b:s13+s3], $0x80, v4, vm0, $0xb8;
	[tilespmem:$0x18100] =	vst v63  }
0x71: {  	s0 =	simm.s32 $0x11100;
	v3 =	vadd.s32 v1, v3  }
0x72: {  	[tilespmem:s0], [sflag:$0x2] =	stream.indirect_vreg.gather [hbm4b:s14+s3], $0x80, v4, vm0, $0xb8;
	[tilespmem:$0x18100] =	vst v63  }
0x73: {  	s1 =	simm.s32 $0x11900  }
0x74: {  	[tilespmem:s1], [sflag:$0x2] =	stream.indirect_vreg.gather [hbm4b:s15+s3], $0x80, v4, vm0, $0xb8;
	[tilespmem:$0x18100] =	vst v63  }
0x75: {  	s4 =	simm.s32 $0x12100  }
0x76: {  	[tilespmem:s4], [sflag:$0x2] =	stream.indirect_vreg.gather [hbm4b:s2+s3], $0x80, v3, vm0, $0xb8;
	[tilespmem:$0x18100] =	vst v63  }
0x77: {  	s16 =	simm.s32 $0x12900  }
0x78: {  	[tilespmem:s16], [sflag:$0x2] =	stream.indirect_vreg.gather [hbm4b:s5+s3], $0x80, v3, vm0, $0xb8;
	[tilespmem:$0x18100] =	vst v63  }
0x79: {  	s19 =	simm.s32 $0x13100  }
0x7a: {  	[tilespmem:s19], [sflag:$0x2] =	stream.indirect_vreg.gather [hbm4b:s6+s3], $0x80, v3, vm0, $0xb8;
	[tilespmem:$0x18100] =	vst v63  }
0x7b: {  	s20 =	simm.s32 $0x13900  }
0x7c: {  	[tilespmem:s20], [sflag:$0x2] =	stream.indirect_vreg.gather [hbm4b:s7+s3], $0x80, v3, vm0, $0xb8;
	[tilespmem:$0x18100] =	vst v63  }
0x7d: {  	s21 =	simm.s32 $0x14100  }
0x7e: {  	[tilespmem:s21], [sflag:$0x2] =	stream.indirect_vreg.gather [hbm4b:s8+s3], $0x80, v3, vm0, $0xb8;
	[tilespmem:$0x18100] =	vst v63  }
0x7f: {  	s25 =	simm.s32 $0x14900  }
0x80: {  	[tilespmem:s25], [sflag:$0x2] =	stream.indirect_vreg.gather [hbm4b:s9+s3], $0x80, v3, vm0, $0xb8;
	[tilespmem:$0x18100] =	vst v63  }
0x81: {  	s28 =	simm.s32 $0x15100  }
0x82: {  	[tilespmem:s28], [sflag:$0x2] =	stream.indirect_vreg.gather [hbm4b:s10+s3], $0x80, v3, vm0, $0xb8;
	[tilespmem:$0x18100] =	vst v63  }
0x83: {  	s29 =	simm.s32 $0x15900  }
0x84: {  	[tilespmem:s29], [sflag:$0x2] =	stream.indirect_vreg.gather [hbm4b:s11+s3], $0x80, v3, vm0, $0xb8;
	[tilespmem:$0x18100] =	vst v63  }
0x85: {  	s30 =	simm.s32 $0x16100  }
0x86: {  	[tilespmem:s30], [sflag:$0x2] =	stream.indirect_vreg.gather [hbm4b:s12+s3], $0x80, v3, vm0, $0xb8;
	[tilespmem:$0x18100] =	vst v63  }
0x87: {  	s31 =	simm.s32 $0x16900  }
0x88: {  	[tilespmem:s31], [sflag:$0x2] =	stream.indirect_vreg.gather [hbm4b:s13+s3], $0x80, v3, vm0, $0xb8;
	[tilespmem:$0x18100] =	vst v63  }
0x89: {  	s0 =	simm.s32 $0x17100  }
0x8a: {  	[tilespmem:s0], [sflag:$0x2] =	stream.indirect_vreg.gather [hbm4b:s14+s3], $0x80, v3, vm0, $0xb8;
	[tilespmem:$0x18100] =	vst v63  }
0x8b: {  	s1 =	simm.s32 $0x17900  }
0x8c: {  	[tilespmem:s1], [sflag:$0x2] =	stream.indirect_vreg.gather [hbm4b:s15+s3], $0x80, v3, vm0, $0xb8;
	[tilespmem:$0x18100] =	vst v63  }
0x8d: {  	_ =	swait.ge [sflag:s22], $0xC000  }
0x8e: {  	[sflag:s22] =	ssyncset.done $0x0  }
0x8f: {  	s16 =	simm.s32 $0x100;
	s4 =	rddreg [dreg:$0x13];
	[sflag:s22] =	ssyncadd.s32 $0xFFFF4000  }
0x90: {  	[hbm4b:s4+s3] =	stream.linear.scatter [tilespmem:s16], [sflag:$0x3], $0xC000, $0x38;
	[tilespmem:$0x18100] =	vst v63  }
0x91: {  	_ =	swait.ge [sflag:s17], $0xC000  }
0x92: {  	[sflag:s17] =	ssyncset.done $0x0  }
0x93: {  	[sflag:s17] =	ssyncadd.s32 $0xFFFF4000  }
0x94: {  	v3 =	vld [tilespmem:$0x20];
	_ =	sdelay $0x4  }
0x95: {  	v50 =	vshrl.u32 v3, $0x3  }
0x96: {  	v4 =	vmul.u32 $0xC0, v50  }
0x97: {  	v3 =	vand.u32 $0x7, v3  }
0x98: {  	v3 =	vor.u32 v3, v4  }
0x99: {  	v4 =	vperm.xlane v3, v0;
	_ =	sdelay $0x1  }
0x9a: {  	v4 =	vadd.s32 v1, v4;
	_ =	sdelay $0x4  }
0x9b: {  	[tilespmem:s16], [sflag:$0x1] =	stream.indirect_vreg.gather [hbm4b:s2+s3], $0x80, v4, vm0, $0xb8;
	[tilespmem:$0x18100] =	vst v63  }
0x9c: {  	s1 =	simm.s32 $0x900  }
0x9d: {  	[tilespmem:s1], [sflag:$0x1] =	stream.indirect_vreg.gather [hbm4b:s5+s3], $0x80, v4, vm0, $0xb8;
	[tilespmem:$0x18100] =	vst v63  }
0x9e: {  	s4 =	simm.s32 $0x1100  }
0x9f: {  	[tilespmem:s4], [sflag:$0x1] =	stream.indirect_vreg.gather [hbm4b:s6+s3], $0x80, v4, vm0, $0xb8;
	[tilespmem:$0x18100] =	vst v63  }
0xa0: {  	s16 =	simm.s32 $0x1900  }
0xa1: {  	[tilespmem:s16], [sflag:$0x1] =	stream.indirect_vreg.gather [hbm4b:s7+s3], $0x80, v4, vm0, $0xb8;
	[tilespmem:$0x18100] =	vst v63  }
0xa2: {  	s19 =	simm.s32 $0x2100  }
0xa3: {  	[tilespmem:s19], [sflag:$0x1] =	stream.indirect_vreg.gather [hbm4b:s8+s3], $0x80, v4, vm0, $0xb8;
	[tilespmem:$0x18100] =	vst v63  }
0xa4: {  	s20 =	simm.s32 $0x2900  }
0xa5: {  	[tilespmem:s20], [sflag:$0x1] =	stream.indirect_vreg.gather [hbm4b:s9+s3], $0x80, v4, vm0, $0xb8;
	[tilespmem:$0x18100] =	vst v63  }
0xa6: {  	s21 =	simm.s32 $0x3100  }
0xa7: {  	[tilespmem:s21], [sflag:$0x1] =	stream.indirect_vreg.gather [hbm4b:s10+s3], $0x80, v4, vm0, $0xb8;
	[tilespmem:$0x18100] =	vst v63  }
0xa8: {  	s25 =	simm.s32 $0x3900  }
0xa9: {  	[tilespmem:s25], [sflag:$0x1] =	stream.indirect_vreg.gather [hbm4b:s11+s3], $0x80, v4, vm0, $0xb8;
	[tilespmem:$0x18100] =	vst v63  }
0xaa: {  	s18 =	simm.s32 $0x4100  }
0xab: {  	[tilespmem:s18], [sflag:$0x1] =	stream.indirect_vreg.gather [hbm4b:s12+s3], $0x80, v4, vm0, $0xb8;
	[tilespmem:$0x18100] =	vst v63  }
0xac: {  	s26 =	simm.s32 $0x4900;
	v3 =	vperm.xlane v3, v2  }
0xad: {  	[tilespmem:s26], [sflag:$0x1] =	stream.indirect_vreg.gather [hbm4b:s13+s3], $0x80, v4, vm0, $0xb8;
	[tilespmem:$0x18100] =	vst v63  }
0xae: {  	s28 =	simm.s32 $0x5100;
	v3 =	vadd.s32 v1, v3  }
0xaf: {  	[tilespmem:s28], [sflag:$0x1] =	stream.indirect_vreg.gather [hbm4b:s14+s3], $0x80, v4, vm0, $0xb8;
	[tilespmem:$0x18100] =	vst v63  }
0xb0: {  	s18 =	simm.s32 $0x5900  }
0xb1: {  	[tilespmem:s18], [sflag:$0x1] =	stream.indirect_vreg.gather [hbm4b:s15+s3], $0x80, v4, vm0, $0xb8;
	[tilespmem:$0x18100] =	vst v63  }
0xb2: {  	s26 =	simm.s32 $0x6100  }
0xb3: {  	[tilespmem:s26], [sflag:$0x1] =	stream.indirect_vreg.gather [hbm4b:s2+s3], $0x80, v3, vm0, $0xb8;
	[tilespmem:$0x18100] =	vst v63  }
0xb4: {  	s31 =	simm.s32 $0x6900  }
0xb5: {  	[tilespmem:s31], [sflag:$0x1] =	stream.indirect_vreg.gather [hbm4b:s5+s3], $0x80, v3, vm0, $0xb8;
	[tilespmem:$0x18100] =	vst v63  }
0xb6: {  	s30 =	simm.s32 $0x7100  }
0xb7: {  	[tilespmem:s30], [sflag:$0x1] =	stream.indirect_vreg.gather [hbm4b:s6+s3], $0x80, v3, vm0, $0xb8;
	[tilespmem:$0x18100] =	vst v63  }
0xb8: {  	s29 =	simm.s32 $0x7900  }
0xb9: {  	[tilespmem:s29], [sflag:$0x1] =	stream.indirect_vreg.gather [hbm4b:s7+s3], $0x80, v3, vm0, $0xb8;
	[tilespmem:$0x18100] =	vst v63  }
0xba: {  	s18 =	simm.s32 $0x8100  }
0xbb: {  	[tilespmem:s18], [sflag:$0x1] =	stream.indirect_vreg.gather [hbm4b:s8+s3], $0x80, v3, vm0, $0xb8;
	[tilespmem:$0x18100] =	vst v63  }
0xbc: {  	s24 =	simm.s32 $0x8900  }
0xbd: {  	[tilespmem:s24], [sflag:$0x1] =	stream.indirect_vreg.gather [hbm4b:s9+s3], $0x80, v3, vm0, $0xb8;
	[tilespmem:$0x18100] =	vst v63  }
0xbe: {  	s24 =	simm.s32 $0x9100  }
0xbf: {  	[tilespmem:s24], [sflag:$0x1] =	stream.indirect_vreg.gather [hbm4b:s10+s3], $0x80, v3, vm0, $0xb8;
	[tilespmem:$0x18100] =	vst v63  }
0xc0: {  	s24 =	simm.s32 $0x9900  }
0xc1: {  	[tilespmem:s24], [sflag:$0x1] =	stream.indirect_vreg.gather [hbm4b:s11+s3], $0x80, v3, vm0, $0xb8;
	[tilespmem:$0x18100] =	vst v63  }
0xc2: {  	s24 =	simm.s32 $0xA100  }
0xc3: {  	[tilespmem:s24], [sflag:$0x1] =	stream.indirect_vreg.gather [hbm4b:s12+s3], $0x80, v3, vm0, $0xb8;
	[tilespmem:$0x18100] =	vst v63  }
0xc4: {  	s24 =	simm.s32 $0xA900  }
0xc5: {  	[tilespmem:s24], [sflag:$0x1] =	stream.indirect_vreg.gather [hbm4b:s13+s3], $0x80, v3, vm0, $0xb8;
	[tilespmem:$0x18100] =	vst v63  }
0xc6: {  	s24 =	simm.s32 $0xB100  }
0xc7: {  	[tilespmem:s24], [sflag:$0x1] =	stream.indirect_vreg.gather [hbm4b:s14+s3], $0x80, v3, vm0, $0xb8;
	[tilespmem:$0x18100] =	vst v63  }
0xc8: {  	s24 =	simm.s32 $0xB900  }
0xc9: {  	[tilespmem:s24], [sflag:$0x1] =	stream.indirect_vreg.gather [hbm4b:s15+s3], $0x80, v3, vm0, $0xb8;
	[tilespmem:$0x18100] =	vst v63  }
0xca: {  	_ =	swait.ge [sflag:s23], $0xC000  }
0xcb: {  	[sflag:s23] =	ssyncset.done $0x0  }
0xcc: {  	s0 =	simm.s32 $0xC100;
	s24 =	rddreg [dreg:$0x4];
	[sflag:s23] =	ssyncadd.s32 $0xFFFF4000  }
0xcd: {  	[hbm4b:s24+s3] =	stream.linear.scatter [tilespmem:s0], [sflag:$0x3], $0xC000, $0x38;
	[tilespmem:$0x18100] =	vst v63  }
0xce: {  	_ =	swait.ge [sflag:s17], $0xC000  }
0xcf: {  	[sflag:s17] =	ssyncset.done $0x0  }
0xd0: {  	[sflag:s17] =	ssyncadd.s32 $0xFFFF4000  }
0xd1: {  	v3 =	vld [tilespmem:$0x30];
	_ =	sdelay $0x4  }
0xd2: {  	v51 =	vshrl.u32 v3, $0x3  }
0xd3: {  	v4 =	vmul.u32 $0xC0, v51  }
0xd4: {  	v3 =	vand.u32 $0x7, v3  }
0xd5: {  	v3 =	vor.u32 v3, v4  }
0xd6: {  	v4 =	vperm.xlane v3, v0;
	_ =	sdelay $0x1  }
0xd7: {  	v4 =	vadd.s32 v1, v4;
	_ =	sdelay $0x4  }
0xd8: {  	[tilespmem:s0], [sflag:$0x2] =	stream.indirect_vreg.gather [hbm4b:s2+s3], $0x80, v4, vm0, $0xb8;
	[tilespmem:$0x18100] =	vst v63  }
0xd9: {  	s24 =	simm.s32 $0xC900  }
0xda: {  	[tilespmem:s24], [sflag:$0x2] =	stream.indirect_vreg.gather [hbm4b:s5+s3], $0x80, v4, vm0, $0xb8;
	[tilespmem:$0x18100] =	vst v63  }
0xdb: {  	s24 =	simm.s32 $0xD100  }
0xdc: {  	[tilespmem:s24], [sflag:$0x2] =	stream.indirect_vreg.gather [hbm4b:s6+s3], $0x80, v4, vm0, $0xb8;
	[tilespmem:$0x18100] =	vst v63  }
0xdd: {  	s24 =	simm.s32 $0xD900  }
0xde: {  	[tilespmem:s24], [sflag:$0x2] =	stream.indirect_vreg.gather [hbm4b:s7+s3], $0x80, v4, vm0, $0xb8;
	[tilespmem:$0x18100] =	vst v63  }
0xdf: {  	s24 =	simm.s32 $0xE100  }
0xe0: {  	[tilespmem:s24], [sflag:$0x2] =	stream.indirect_vreg.gather [hbm4b:s8+s3], $0x80, v4, vm0, $0xb8;
	[tilespmem:$0x18100] =	vst v63  }
0xe1: {  	s24 =	simm.s32 $0xE900  }
0xe2: {  	[tilespmem:s24], [sflag:$0x2] =	stream.indirect_vreg.gather [hbm4b:s9+s3], $0x80, v4, vm0, $0xb8;
	[tilespmem:$0x18100] =	vst v63  }
0xe3: {  	s24 =	simm.s32 $0xF100  }
0xe4: {  	[tilespmem:s24], [sflag:$0x2] =	stream.indirect_vreg.gather [hbm4b:s10+s3], $0x80, v4, vm0, $0xb8;
	[tilespmem:$0x18100] =	vst v63  }
0xe5: {  	s24 =	simm.s32 $0xF900  }
0xe6: {  	[tilespmem:s24], [sflag:$0x2] =	stream.indirect_vreg.gather [hbm4b:s11+s3], $0x80, v4, vm0, $0xb8;
	[tilespmem:$0x18100] =	vst v63  }
0xe7: {  	s24 =	simm.s32 $0x10100  }
0xe8: {  	[tilespmem:s24], [sflag:$0x2] =	stream.indirect_vreg.gather [hbm4b:s12+s3], $0x80, v4, vm0, $0xb8;
	[tilespmem:$0x18100] =	vst v63  }
0xe9: {  	v3 =	vperm.xlane v3, v2;
	s24 =	simm.s32 $0x10900  }
0xea: {  	[tilespmem:s24], [sflag:$0x2] =	stream.indirect_vreg.gather [hbm4b:s13+s3], $0x80, v4, vm0, $0xb8;
	[tilespmem:$0x18100] =	vst v63  }
0xeb: {  	v3 =	vadd.s32 v1, v3;
	s24 =	simm.s32 $0x11100  }
0xec: {  	[tilespmem:s24], [sflag:$0x2] =	stream.indirect_vreg.gather [hbm4b:s14+s3], $0x80, v4, vm0, $0xb8;
	[tilespmem:$0x18100] =	vst v63  }
0xed: {  	s24 =	simm.s32 $0x11900  }
0xee: {  	[tilespmem:s24], [sflag:$0x2] =	stream.indirect_vreg.gather [hbm4b:s15+s3], $0x80, v4, vm0, $0xb8;
	[tilespmem:$0x18100] =	vst v63  }
0xef: {  	s24 =	simm.s32 $0x12100  }
0xf0: {  	[tilespmem:s24], [sflag:$0x2] =	stream.indirect_vreg.gather [hbm4b:s2+s3], $0x80, v3, vm0, $0xb8;
	[tilespmem:$0x18100] =	vst v63  }
0xf1: {  	s24 =	simm.s32 $0x12900  }
0xf2: {  	[tilespmem:s24], [sflag:$0x2] =	stream.indirect_vreg.gather [hbm4b:s5+s3], $0x80, v3, vm0, $0xb8;
	[tilespmem:$0x18100] =	vst v63  }
0xf3: {  	s24 =	simm.s32 $0x13100  }
0xf4: {  	[tilespmem:s24], [sflag:$0x2] =	stream.indirect_vreg.gather [hbm4b:s6+s3], $0x80, v3, vm0, $0xb8;
	[tilespmem:$0x18100] =	vst v63  }
0xf5: {  	s24 =	simm.s32 $0x13900  }
0xf6: {  	[tilespmem:s24], [sflag:$0x2] =	stream.indirect_vreg.gather [hbm4b:s7+s3], $0x80, v3, vm0, $0xb8;
	[tilespmem:$0x18100] =	vst v63  }
0xf7: {  	s24 =	simm.s32 $0x14100  }
0xf8: {  	[tilespmem:s24], [sflag:$0x2] =	stream.indirect_vreg.gather [hbm4b:s8+s3], $0x80, v3, vm0, $0xb8;
	[tilespmem:$0x18100] =	vst v63  }
0xf9: {  	s24 =	simm.s32 $0x14900  }
0xfa: {  	[tilespmem:s24], [sflag:$0x2] =	stream.indirect_vreg.gather [hbm4b:s9+s3], $0x80, v3, vm0, $0xb8;
	[tilespmem:$0x18100] =	vst v63  }
0xfb: {  	s24 =	simm.s32 $0x15100  }
0xfc: {  	[tilespmem:s24], [sflag:$0x2] =	stream.indirect_vreg.gather [hbm4b:s10+s3], $0x80, v3, vm0, $0xb8;
	[tilespmem:$0x18100] =	vst v63  }
0xfd: {  	s24 =	simm.s32 $0x15900  }
0xfe: {  	[tilespmem:s24], [sflag:$0x2] =	stream.indirect_vreg.gather [hbm4b:s11+s3], $0x80, v3, vm0, $0xb8;
	[tilespmem:$0x18100] =	vst v63  }
0xff: {  	s24 =	simm.s32 $0x16100  }
0x100: {  	[tilespmem:s24], [sflag:$0x2] =	stream.indirect_vreg.gather [hbm4b:s12+s3], $0x80, v3, vm0, $0xb8;
	[tilespmem:$0x18100] =	vst v63  }
0x101: {  	s24 =	simm.s32 $0x16900  }
0x102: {  	[tilespmem:s24], [sflag:$0x2] =	stream.indirect_vreg.gather [hbm4b:s13+s3], $0x80, v3, vm0, $0xb8;
	[tilespmem:$0x18100] =	vst v63  }
0x103: {  	s24 =	simm.s32 $0x17100  }
0x104: {  	[tilespmem:s24], [sflag:$0x2] =	stream.indirect_vreg.gather [hbm4b:s14+s3], $0x80, v3, vm0, $0xb8;
	[tilespmem:$0x18100] =	vst v63  }
0x105: {  	s24 =	simm.s32 $0x17900  }
0x106: {  	[tilespmem:s24], [sflag:$0x2] =	stream.indirect_vreg.gather [hbm4b:s15+s3], $0x80, v3, vm0, $0xb8;
	[tilespmem:$0x18100] =	vst v63  }
0x107: {  	_ =	swait.ge [sflag:s22], $0xC000  }
0x108: {  	[sflag:s22] =	ssyncset.done $0x0  }
0x109: {  	s0 =	simm.s32 $0x100;
	s24 =	rddreg [dreg:$0x5];
	[sflag:s22] =	ssyncadd.s32 $0xFFFF4000  }
0x10a: {  	[hbm4b:s24+s3] =	stream.linear.scatter [tilespmem:s0], [sflag:$0x3], $0xC000, $0x38;
	[tilespmem:$0x18100] =	vst v63  }
0x10b: {  	_ =	swait.ge [sflag:s17], $0xC000  }
0x10c: {  	[sflag:s17] =	ssyncset.done $0x0  }
0x10d: {  	[sflag:s17] =	ssyncadd.s32 $0xFFFF4000  }
0x10e: {  	v3 =	vld [tilespmem:$0x40];
	_ =	sdelay $0x4  }
0x10f: {  	v52 =	vshrl.u32 v3, $0x3  }
0x110: {  	v4 =	vmul.u32 $0xC0, v52  }
0x111: {  	v3 =	vand.u32 $0x7, v3  }
0x112: {  	v3 =	vor.u32 v3, v4  }
0x113: {  	v4 =	vperm.xlane v3, v0;
	_ =	sdelay $0x1  }
0x114: {  	v4 =	vadd.s32 v1, v4;
	_ =	sdelay $0x4  }
0x115: {  	[tilespmem:s0], [sflag:$0x1] =	stream.indirect_vreg.gather [hbm4b:s2+s3], $0x80, v4, vm0, $0xb8;
	[tilespmem:$0x18100] =	vst v63  }
0x116: {  	_ = 	snop  }
0x117: {  	[tilespmem:s1], [sflag:$0x1] =	stream.indirect_vreg.gather [hbm4b:s5+s3], $0x80, v4, vm0, $0xb8;
	[tilespmem:$0x18100] =	vst v63  }
0x118: {  	_ = 	snop  }
0x119: {  	[tilespmem:s4], [sflag:$0x1] =	stream.indirect_vreg.gather [hbm4b:s6+s3], $0x80, v4, vm0, $0xb8;
	[tilespmem:$0x18100] =	vst v63  }
0x11a: {  	_ = 	snop  }
0x11b: {  	[tilespmem:s16], [sflag:$0x1] =	stream.indirect_vreg.gather [hbm4b:s7+s3], $0x80, v4, vm0, $0xb8;
	[tilespmem:$0x18100] =	vst v63  }
0x11c: {  	_ = 	snop  }
0x11d: {  	[tilespmem:s19], [sflag:$0x1] =	stream.indirect_vreg.gather [hbm4b:s8+s3], $0x80, v4, vm0, $0xb8;
	[tilespmem:$0x18100] =	vst v63  }
0x11e: {  	_ = 	snop  }
0x11f: {  	[tilespmem:s20], [sflag:$0x1] =	stream.indirect_vreg.gather [hbm4b:s9+s3], $0x80, v4, vm0, $0xb8;
	[tilespmem:$0x18100] =	vst v63  }
0x120: {  	_ = 	snop  }
0x121: {  	[tilespmem:s21], [sflag:$0x1] =	stream.indirect_vreg.gather [hbm4b:s10+s3], $0x80, v4, vm0, $0xb8;
	[tilespmem:$0x18100] =	vst v63  }
0x122: {  	_ = 	snop  }
0x123: {  	[tilespmem:s25], [sflag:$0x1] =	stream.indirect_vreg.gather [hbm4b:s11+s3], $0x80, v4, vm0, $0xb8;
	[tilespmem:$0x18100] =	vst v63  }
0x124: {  	s1 =	simm.s32 $0x4100  }
0x125: {  	[tilespmem:s1], [sflag:$0x1] =	stream.indirect_vreg.gather [hbm4b:s12+s3], $0x80, v4, vm0, $0xb8;
	[tilespmem:$0x18100] =	vst v63  }
0x126: {  	v3 =	vperm.xlane v3, v2;
	s4 =	simm.s32 $0x4900  }
0x127: {  	[tilespmem:s4], [sflag:$0x1] =	stream.indirect_vreg.gather [hbm4b:s13+s3], $0x80, v4, vm0, $0xb8;
	[tilespmem:$0x18100] =	vst v63  }
0x128: {  	v3 =	vadd.s32 v1, v3  }
0x129: {  	[tilespmem:s28], [sflag:$0x1] =	stream.indirect_vreg.gather [hbm4b:s14+s3], $0x80, v4, vm0, $0xb8;
	[tilespmem:$0x18100] =	vst v63  }
0x12a: {  	s16 =	simm.s32 $0x5900  }
0x12b: {  	[tilespmem:s16], [sflag:$0x1] =	stream.indirect_vreg.gather [hbm4b:s15+s3], $0x80, v4, vm0, $0xb8;
	[tilespmem:$0x18100] =	vst v63  }
0x12c: {  	_ = 	snop  }
0x12d: {  	[tilespmem:s26], [sflag:$0x1] =	stream.indirect_vreg.gather [hbm4b:s2+s3], $0x80, v3, vm0, $0xb8;
	[tilespmem:$0x18100] =	vst v63  }
0x12e: {  	_ = 	snop  }
0x12f: {  	[tilespmem:s31], [sflag:$0x1] =	stream.indirect_vreg.gather [hbm4b:s5+s3], $0x80, v3, vm0, $0xb8;
	[tilespmem:$0x18100] =	vst v63  }
0x130: {  	_ = 	snop  }
0x131: {  	[tilespmem:s30], [sflag:$0x1] =	stream.indirect_vreg.gather [hbm4b:s6+s3], $0x80, v3, vm0, $0xb8;
	[tilespmem:$0x18100] =	vst v63  }
0x132: {  	_ = 	snop  }
0x133: {  	[tilespmem:s29], [sflag:$0x1] =	stream.indirect_vreg.gather [hbm4b:s7+s3], $0x80, v3, vm0, $0xb8;
	[tilespmem:$0x18100] =	vst v63  }
0x134: {  	_ = 	snop  }
0x135: {  	[tilespmem:s18], [sflag:$0x1] =	stream.indirect_vreg.gather [hbm4b:s8+s3], $0x80, v3, vm0, $0xb8;
	[tilespmem:$0x18100] =	vst v63  }
0x136: {  	s18 =	simm.s32 $0x8900  }
0x137: {  	[tilespmem:s18], [sflag:$0x1] =	stream.indirect_vreg.gather [hbm4b:s9+s3], $0x80, v3, vm0, $0xb8;
	[tilespmem:$0x18100] =	vst v63  }
0x138: {  	s28 =	simm.s32 $0x9100  }
0x139: {  	[tilespmem:s28], [sflag:$0x1] =	stream.indirect_vreg.gather [hbm4b:s10+s3], $0x80, v3, vm0, $0xb8;
	[tilespmem:$0x18100] =	vst v63  }
0x13a: {  	s19 =	simm.s32 $0x9900  }
0x13b: {  	[tilespmem:s19], [sflag:$0x1] =	stream.indirect_vreg.gather [hbm4b:s11+s3], $0x80, v3, vm0, $0xb8;
	[tilespmem:$0x18100] =	vst v63  }
0x13c: {  	s1 =	simm.s32 $0xA100  }
0x13d: {  	[tilespmem:s1], [sflag:$0x1] =	stream.indirect_vreg.gather [hbm4b:s12+s3], $0x80, v3, vm0, $0xb8;
	[tilespmem:$0x18100] =	vst v63  }
0x13e: {  	s4 =	simm.s32 $0xA900  }
0x13f: {  	[tilespmem:s4], [sflag:$0x1] =	stream.indirect_vreg.gather [hbm4b:s13+s3], $0x80, v3, vm0, $0xb8;
	[tilespmem:$0x18100] =	vst v63  }
0x140: {  	s16 =	simm.s32 $0xB100  }
0x141: {  	[tilespmem:s16], [sflag:$0x1] =	stream.indirect_vreg.gather [hbm4b:s14+s3], $0x80, v3, vm0, $0xb8;
	[tilespmem:$0x18100] =	vst v63  }
0x142: {  	s19 =	simm.s32 $0xB900  }
0x143: {  	[tilespmem:s19], [sflag:$0x1] =	stream.indirect_vreg.gather [hbm4b:s15+s3], $0x80, v3, vm0, $0xb8;
	[tilespmem:$0x18100] =	vst v63  }
0x144: {  	_ =	swait.ge [sflag:s23], $0xC000  }
0x145: {  	[sflag:s23] =	ssyncset.done $0x0  }
0x146: {  	s21 =	simm.s32 $0xC100;
	s20 =	rddreg [dreg:$0x6];
	[sflag:s23] =	ssyncadd.s32 $0xFFFF4000  }
0x147: {  	[hbm4b:s20+s3] =	stream.linear.scatter [tilespmem:s21], [sflag:$0x3], $0xC000, $0x38;
	[tilespmem:$0x18100] =	vst v63  }
0x148: {  	_ =	swait.ge [sflag:s17], $0xC000  }
0x149: {  	[sflag:s17] =	ssyncset.done $0x0  }
0x14a: {  	[sflag:s17] =	ssyncadd.s32 $0xFFFF4000  }
0x14b: {  	v3 =	vld [tilespmem:$0x50];
	_ =	sdelay $0x4  }
0x14c: {  	v53 =	vshrl.u32 v3, $0x3  }
0x14d: {  	v4 =	vmul.u32 $0xC0, v53  }
0x14e: {  	v3 =	vand.u32 $0x7, v3  }
0x14f: {  	v3 =	vor.u32 v3, v4  }
0x150: {  	v4 =	vperm.xlane v3, v0;
	_ =	sdelay $0x1  }
0x151: {  	v4 =	vadd.s32 v1, v4;
	_ =	sdelay $0x4  }
0x152: {  	[tilespmem:s21], [sflag:$0x2] =	stream.indirect_vreg.gather [hbm4b:s2+s3], $0x80, v4, vm0, $0xb8;
	[tilespmem:$0x18100] =	vst v63  }
0x153: {  	s21 =	simm.s32 $0xC900  }
0x154: {  	[tilespmem:s21], [sflag:$0x2] =	stream.indirect_vreg.gather [hbm4b:s5+s3], $0x80, v4, vm0, $0xb8;
	[tilespmem:$0x18100] =	vst v63  }
0x155: {  	s25 =	simm.s32 $0xD100  }
0x156: {  	[tilespmem:s25], [sflag:$0x2] =	stream.indirect_vreg.gather [hbm4b:s6+s3], $0x80, v4, vm0, $0xb8;
	[tilespmem:$0x18100] =	vst v63  }
0x157: {  	s26 =	simm.s32 $0xD900  }
0x158: {  	[tilespmem:s26], [sflag:$0x2] =	stream.indirect_vreg.gather [hbm4b:s7+s3], $0x80, v4, vm0, $0xb8;
	[tilespmem:$0x18100] =	vst v63  }
0x159: {  	s29 =	simm.s32 $0xE100  }
0x15a: {  	[tilespmem:s29], [sflag:$0x2] =	stream.indirect_vreg.gather [hbm4b:s8+s3], $0x80, v4, vm0, $0xb8;
	[tilespmem:$0x18100] =	vst v63  }
0x15b: {  	s30 =	simm.s32 $0xE900  }
0x15c: {  	[tilespmem:s30], [sflag:$0x2] =	stream.indirect_vreg.gather [hbm4b:s9+s3], $0x80, v4, vm0, $0xb8;
	[tilespmem:$0x18100] =	vst v63  }
0x15d: {  	s31 =	simm.s32 $0xF100  }
0x15e: {  	[tilespmem:s31], [sflag:$0x2] =	stream.indirect_vreg.gather [hbm4b:s10+s3], $0x80, v4, vm0, $0xb8;
	[tilespmem:$0x18100] =	vst v63  }
0x15f: {  	s20 =	simm.s32 $0xF900  }
0x160: {  	[tilespmem:s20], [sflag:$0x2] =	stream.indirect_vreg.gather [hbm4b:s11+s3], $0x80, v4, vm0, $0xb8;
	[tilespmem:$0x18100] =	vst v63  }
0x161: {  	s24 =	simm.s32 $0x10100  }
0x162: {  	[tilespmem:s24], [sflag:$0x2] =	stream.indirect_vreg.gather [hbm4b:s12+s3], $0x80, v4, vm0, $0xb8;
	[tilespmem:$0x18100] =	vst v63  }
0x163: {  	v3 =	vperm.xlane v3, v2;
	s24 =	simm.s32 $0x10900  }
0x164: {  	[tilespmem:s24], [sflag:$0x2] =	stream.indirect_vreg.gather [hbm4b:s13+s3], $0x80, v4, vm0, $0xb8;
	[tilespmem:$0x18100] =	vst v63  }
0x165: {  	v3 =	vadd.s32 v1, v3;
	s24 =	simm.s32 $0x11100  }
0x166: {  	[tilespmem:s24], [sflag:$0x2] =	stream.indirect_vreg.gather [hbm4b:s14+s3], $0x80, v4, vm0, $0xb8;
	[tilespmem:$0x18100] =	vst v63  }
0x167: {  	s24 =	simm.s32 $0x11900  }
0x168: {  	[tilespmem:s24], [sflag:$0x2] =	stream.indirect_vreg.gather [hbm4b:s15+s3], $0x80, v4, vm0, $0xb8;
	[tilespmem:$0x18100] =	vst v63  }
0x169: {  	s24 =	simm.s32 $0x12100  }
0x16a: {  	[tilespmem:s24], [sflag:$0x2] =	stream.indirect_vreg.gather [hbm4b:s2+s3], $0x80, v3, vm0, $0xb8;
	[tilespmem:$0x18100] =	vst v63  }
0x16b: {  	s24 =	simm.s32 $0x12900  }
0x16c: {  	[tilespmem:s24], [sflag:$0x2] =	stream.indirect_vreg.gather [hbm4b:s5+s3], $0x80, v3, vm0, $0xb8;
	[tilespmem:$0x18100] =	vst v63  }
0x16d: {  	s24 =	simm.s32 $0x13100  }
0x16e: {  	[tilespmem:s24], [sflag:$0x2] =	stream.indirect_vreg.gather [hbm4b:s6+s3], $0x80, v3, vm0, $0xb8;
	[tilespmem:$0x18100] =	vst v63  }
0x16f: {  	s24 =	simm.s32 $0x13900  }
0x170: {  	[tilespmem:s24], [sflag:$0x2] =	stream.indirect_vreg.gather [hbm4b:s7+s3], $0x80, v3, vm0, $0xb8;
	[tilespmem:$0x18100] =	vst v63  }
0x171: {  	s24 =	simm.s32 $0x14100  }
0x172: {  	[tilespmem:s24], [sflag:$0x2] =	stream.indirect_vreg.gather [hbm4b:s8+s3], $0x80, v3, vm0, $0xb8;
	[tilespmem:$0x18100] =	vst v63  }
0x173: {  	s24 =	simm.s32 $0x14900  }
0x174: {  	[tilespmem:s24], [sflag:$0x2] =	stream.indirect_vreg.gather [hbm4b:s9+s3], $0x80, v3, vm0, $0xb8;
	[tilespmem:$0x18100] =	vst v63  }
0x175: {  	s24 =	simm.s32 $0x15100  }
0x176: {  	[tilespmem:s24], [sflag:$0x2] =	stream.indirect_vreg.gather [hbm4b:s10+s3], $0x80, v3, vm0, $0xb8;
	[tilespmem:$0x18100] =	vst v63  }
0x177: {  	s24 =	simm.s32 $0x15900  }
0x178: {  	[tilespmem:s24], [sflag:$0x2] =	stream.indirect_vreg.gather [hbm4b:s11+s3], $0x80, v3, vm0, $0xb8;
	[tilespmem:$0x18100] =	vst v63  }
0x179: {  	s24 =	simm.s32 $0x16100  }
0x17a: {  	[tilespmem:s24], [sflag:$0x2] =	stream.indirect_vreg.gather [hbm4b:s12+s3], $0x80, v3, vm0, $0xb8;
	[tilespmem:$0x18100] =	vst v63  }
0x17b: {  	s24 =	simm.s32 $0x16900  }
0x17c: {  	[tilespmem:s24], [sflag:$0x2] =	stream.indirect_vreg.gather [hbm4b:s13+s3], $0x80, v3, vm0, $0xb8;
	[tilespmem:$0x18100] =	vst v63  }
0x17d: {  	s24 =	simm.s32 $0x17100  }
0x17e: {  	[tilespmem:s24], [sflag:$0x2] =	stream.indirect_vreg.gather [hbm4b:s14+s3], $0x80, v3, vm0, $0xb8;
	[tilespmem:$0x18100] =	vst v63  }
0x17f: {  	s24 =	simm.s32 $0x17900  }
0x180: {  	[tilespmem:s24], [sflag:$0x2] =	stream.indirect_vreg.gather [hbm4b:s15+s3], $0x80, v3, vm0, $0xb8;
	[tilespmem:$0x18100] =	vst v63  }
0x181: {  	_ =	swait.ge [sflag:s22], $0xC000  }
0x182: {  	[sflag:s22] =	ssyncset.done $0x0  }
0x183: {  	s0 =	simm.s32 $0x100;
	s24 =	rddreg [dreg:$0x7];
	[sflag:s22] =	ssyncadd.s32 $0xFFFF4000  }
0x184: {  	[hbm4b:s24+s3] =	stream.linear.scatter [tilespmem:s0], [sflag:$0x3], $0xC000, $0x38;
	[tilespmem:$0x18100] =	vst v63  }
0x185: {  	_ =	swait.ge [sflag:s17], $0xC000  }
0x186: {  	[sflag:s17] =	ssyncset.done $0x0  }
0x187: {  	[sflag:s17] =	ssyncadd.s32 $0xFFFF4000  }
0x188: {  	v3 =	vld [tilespmem:$0x60];
	_ =	sdelay $0x4  }
0x189: {  	v54 =	vshrl.u32 v3, $0x3  }
0x18a: {  	v4 =	vmul.u32 $0xC0, v54  }
0x18b: {  	v3 =	vand.u32 $0x7, v3  }
0x18c: {  	v3 =	vor.u32 v3, v4  }
0x18d: {  	v4 =	vperm.xlane v3, v0;
	_ =	sdelay $0x1  }
0x18e: {  	v4 =	vadd.s32 v1, v4;
	_ =	sdelay $0x4  }
0x18f: {  	[tilespmem:s0], [sflag:$0x1] =	stream.indirect_vreg.gather [hbm4b:s2+s3], $0x80, v4, vm0, $0xb8;
	[tilespmem:$0x18100] =	vst v63  }
0x190: {  	s24 =	simm.s32 $0x900  }
0x191: {  	[tilespmem:s24], [sflag:$0x1] =	stream.indirect_vreg.gather [hbm4b:s5+s3], $0x80, v4, vm0, $0xb8;
	[tilespmem:$0x18100] =	vst v63  }
0x192: {  	s24 =	simm.s32 $0x1100  }
0x193: {  	[tilespmem:s24], [sflag:$0x1] =	stream.indirect_vreg.gather [hbm4b:s6+s3], $0x80, v4, vm0, $0xb8;
	[tilespmem:$0x18100] =	vst v63  }
0x194: {  	s24 =	simm.s32 $0x1900  }
0x195: {  	[tilespmem:s24], [sflag:$0x1] =	stream.indirect_vreg.gather [hbm4b:s7+s3], $0x80, v4, vm0, $0xb8;
	[tilespmem:$0x18100] =	vst v63  }
0x196: {  	s24 =	simm.s32 $0x2100  }
0x197: {  	[tilespmem:s24], [sflag:$0x1] =	stream.indirect_vreg.gather [hbm4b:s8+s3], $0x80, v4, vm0, $0xb8;
	[tilespmem:$0x18100] =	vst v63  }
0x198: {  	s24 =	simm.s32 $0x2900  }
0x199: {  	[tilespmem:s24], [sflag:$0x1] =	stream.indirect_vreg.gather [hbm4b:s9+s3], $0x80, v4, vm0, $0xb8;
	[tilespmem:$0x18100] =	vst v63  }
0x19a: {  	s24 =	simm.s32 $0x3100  }
0x19b: {  	[tilespmem:s24], [sflag:$0x1] =	stream.indirect_vreg.gather [hbm4b:s10+s3], $0x80, v4, vm0, $0xb8;
	[tilespmem:$0x18100] =	vst v63  }
0x19c: {  	s24 =	simm.s32 $0x3900  }
0x19d: {  	[tilespmem:s24], [sflag:$0x1] =	stream.indirect_vreg.gather [hbm4b:s11+s3], $0x80, v4, vm0, $0xb8;
	[tilespmem:$0x18100] =	vst v63  }
0x19e: {  	s24 =	simm.s32 $0x4100  }
0x19f: {  	[tilespmem:s24], [sflag:$0x1] =	stream.indirect_vreg.gather [hbm4b:s12+s3], $0x80, v4, vm0, $0xb8;
	[tilespmem:$0x18100] =	vst v63  }
0x1a0: {  	v3 =	vperm.xlane v3, v2;
	s24 =	simm.s32 $0x4900  }
0x1a1: {  	[tilespmem:s24], [sflag:$0x1] =	stream.indirect_vreg.gather [hbm4b:s13+s3], $0x80, v4, vm0, $0xb8;
	[tilespmem:$0x18100] =	vst v63  }
0x1a2: {  	v3 =	vadd.s32 v1, v3;
	s24 =	simm.s32 $0x5100  }
0x1a3: {  	[tilespmem:s24], [sflag:$0x1] =	stream.indirect_vreg.gather [hbm4b:s14+s3], $0x80, v4, vm0, $0xb8;
	[tilespmem:$0x18100] =	vst v63  }
0x1a4: {  	s24 =	simm.s32 $0x5900  }
0x1a5: {  	[tilespmem:s24], [sflag:$0x1] =	stream.indirect_vreg.gather [hbm4b:s15+s3], $0x80, v4, vm0, $0xb8;
	[tilespmem:$0x18100] =	vst v63  }
0x1a6: {  	s24 =	simm.s32 $0x6100  }
0x1a7: {  	[tilespmem:s24], [sflag:$0x1] =	stream.indirect_vreg.gather [hbm4b:s2+s3], $0x80, v3, vm0, $0xb8;
	[tilespmem:$0x18100] =	vst v63  }
0x1a8: {  	s24 =	simm.s32 $0x6900  }
0x1a9: {  	[tilespmem:s24], [sflag:$0x1] =	stream.indirect_vreg.gather [hbm4b:s5+s3], $0x80, v3, vm0, $0xb8;
	[tilespmem:$0x18100] =	vst v63  }
0x1aa: {  	s24 =	simm.s32 $0x7100  }
0x1ab: {  	[tilespmem:s24], [sflag:$0x1] =	stream.indirect_vreg.gather [hbm4b:s6+s3], $0x80, v3, vm0, $0xb8;
	[tilespmem:$0x18100] =	vst v63  }
0x1ac: {  	s24 =	simm.s32 $0x7900  }
0x1ad: {  	[tilespmem:s24], [sflag:$0x1] =	stream.indirect_vreg.gather [hbm4b:s7+s3], $0x80, v3, vm0, $0xb8;
	[tilespmem:$0x18100] =	vst v63  }
0x1ae: {  	s24 =	simm.s32 $0x8100  }
0x1af: {  	[tilespmem:s24], [sflag:$0x1] =	stream.indirect_vreg.gather [hbm4b:s8+s3], $0x80, v3, vm0, $0xb8;
	[tilespmem:$0x18100] =	vst v63  }
0x1b0: {  	_ = 	snop  }
0x1b1: {  	[tilespmem:s18], [sflag:$0x1] =	stream.indirect_vreg.gather [hbm4b:s9+s3], $0x80, v3, vm0, $0xb8;
	[tilespmem:$0x18100] =	vst v63  }
0x1b2: {  	_ = 	snop  }
0x1b3: {  	[tilespmem:s28], [sflag:$0x1] =	stream.indirect_vreg.gather [hbm4b:s10+s3], $0x80, v3, vm0, $0xb8;
	[tilespmem:$0x18100] =	vst v63  }
0x1b4: {  	s28 =	simm.s32 $0x9900  }
0x1b5: {  	[tilespmem:s28], [sflag:$0x1] =	stream.indirect_vreg.gather [hbm4b:s11+s3], $0x80, v3, vm0, $0xb8;
	[tilespmem:$0x18100] =	vst v63  }
0x1b6: {  	_ = 	snop  }
0x1b7: {  	[tilespmem:s1], [sflag:$0x1] =	stream.indirect_vreg.gather [hbm4b:s12+s3], $0x80, v3, vm0, $0xb8;
	[tilespmem:$0x18100] =	vst v63  }
0x1b8: {  	_ = 	snop  }
0x1b9: {  	[tilespmem:s4], [sflag:$0x1] =	stream.indirect_vreg.gather [hbm4b:s13+s3], $0x80, v3, vm0, $0xb8;
	[tilespmem:$0x18100] =	vst v63  }
0x1ba: {  	_ = 	snop  }
0x1bb: {  	[tilespmem:s16], [sflag:$0x1] =	stream.indirect_vreg.gather [hbm4b:s14+s3], $0x80, v3, vm0, $0xb8;
	[tilespmem:$0x18100] =	vst v63  }
0x1bc: {  	_ = 	snop  }
0x1bd: {  	[tilespmem:s19], [sflag:$0x1] =	stream.indirect_vreg.gather [hbm4b:s15+s3], $0x80, v3, vm0, $0xb8;
	[tilespmem:$0x18100] =	vst v63  }
0x1be: {  	_ =	swait.ge [sflag:s23], $0xC000  }
0x1bf: {  	[sflag:s23] =	ssyncset.done $0x0  }
0x1c0: {  	s19 =	simm.s32 $0xC100;
	s18 =	rddreg [dreg:$0x8];
	[sflag:s23] =	ssyncadd.s32 $0xFFFF4000  }
0x1c1: {  	[hbm4b:s18+s3] =	stream.linear.scatter [tilespmem:s19], [sflag:$0x3], $0xC000, $0x38;
	[tilespmem:$0x18100] =	vst v63  }
0x1c2: {  	_ =	swait.ge [sflag:s17], $0xC000  }
0x1c3: {  	[sflag:s17] =	ssyncset.done $0x0  }
0x1c4: {  	[sflag:s17] =	ssyncadd.s32 $0xFFFF4000  }
0x1c5: {  	v3 =	vld [tilespmem:$0x70];
	_ =	sdelay $0x4  }
0x1c6: {  	v55 =	vshrl.u32 v3, $0x3  }
0x1c7: {  	v4 =	vmul.u32 $0xC0, v55  }
0x1c8: {  	v3 =	vand.u32 $0x7, v3  }
0x1c9: {  	v3 =	vor.u32 v3, v4  }
0x1ca: {  	v4 =	vperm.xlane v3, v0;
	_ =	sdelay $0x1  }
0x1cb: {  	v4 =	vadd.s32 v1, v4;
	_ =	sdelay $0x4  }
0x1cc: {  	[tilespmem:s19], [sflag:$0x2] =	stream.indirect_vreg.gather [hbm4b:s2+s3], $0x80, v4, vm0, $0xb8;
	[tilespmem:$0x18100] =	vst v63  }
0x1cd: {  	_ = 	snop  }
0x1ce: {  	[tilespmem:s21], [sflag:$0x2] =	stream.indirect_vreg.gather [hbm4b:s5+s3], $0x80, v4, vm0, $0xb8;
	[tilespmem:$0x18100] =	vst v63  }
0x1cf: {  	_ = 	snop  }
0x1d0: {  	[tilespmem:s25], [sflag:$0x2] =	stream.indirect_vreg.gather [hbm4b:s6+s3], $0x80, v4, vm0, $0xb8;
	[tilespmem:$0x18100] =	vst v63  }
0x1d1: {  	_ = 	snop  }
0x1d2: {  	[tilespmem:s26], [sflag:$0x2] =	stream.indirect_vreg.gather [hbm4b:s7+s3], $0x80, v4, vm0, $0xb8;
	[tilespmem:$0x18100] =	vst v63  }
0x1d3: {  	_ = 	snop  }
0x1d4: {  	[tilespmem:s29], [sflag:$0x2] =	stream.indirect_vreg.gather [hbm4b:s8+s3], $0x80, v4, vm0, $0xb8;
	[tilespmem:$0x18100] =	vst v63  }
0x1d5: {  	_ = 	snop  }
0x1d6: {  	[tilespmem:s30], [sflag:$0x2] =	stream.indirect_vreg.gather [hbm4b:s9+s3], $0x80, v4, vm0, $0xb8;
	[tilespmem:$0x18100] =	vst v63  }
0x1d7: {  	_ = 	snop  }
0x1d8: {  	[tilespmem:s31], [sflag:$0x2] =	stream.indirect_vreg.gather [hbm4b:s10+s3], $0x80, v4, vm0, $0xb8;
	[tilespmem:$0x18100] =	vst v63  }
0x1d9: {  	_ = 	snop  }
0x1da: {  	[tilespmem:s20], [sflag:$0x2] =	stream.indirect_vreg.gather [hbm4b:s11+s3], $0x80, v4, vm0, $0xb8;
	[tilespmem:$0x18100] =	vst v63  }
0x1db: {  	s24 =	simm.s32 $0x10100  }
0x1dc: {  	[tilespmem:s24], [sflag:$0x2] =	stream.indirect_vreg.gather [hbm4b:s12+s3], $0x80, v4, vm0, $0xb8;
	[tilespmem:$0x18100] =	vst v63  }
0x1dd: {  	v3 =	vperm.xlane v3, v2;
	s25 =	simm.s32 $0x10900  }
0x1de: {  	[tilespmem:s25], [sflag:$0x2] =	stream.indirect_vreg.gather [hbm4b:s13+s3], $0x80, v4, vm0, $0xb8;
	[tilespmem:$0x18100] =	vst v63  }
0x1df: {  	v3 =	vadd.s32 v1, v3;
	s26 =	simm.s32 $0x11100  }
0x1e0: {  	[tilespmem:s26], [sflag:$0x2] =	stream.indirect_vreg.gather [hbm4b:s14+s3], $0x80, v4, vm0, $0xb8;
	[tilespmem:$0x18100] =	vst v63  }
0x1e1: {  	s28 =	simm.s32 $0x11900  }
0x1e2: {  	[tilespmem:s28], [sflag:$0x2] =	stream.indirect_vreg.gather [hbm4b:s15+s3], $0x80, v4, vm0, $0xb8;
	[tilespmem:$0x18100] =	vst v63  }
0x1e3: {  	s29 =	simm.s32 $0x12100  }
0x1e4: {  	[tilespmem:s29], [sflag:$0x2] =	stream.indirect_vreg.gather [hbm4b:s2+s3], $0x80, v3, vm0, $0xb8;
	[tilespmem:$0x18100] =	vst v63  }
0x1e5: {  	s30 =	simm.s32 $0x12900  }
0x1e6: {  	[tilespmem:s30], [sflag:$0x2] =	stream.indirect_vreg.gather [hbm4b:s5+s3], $0x80, v3, vm0, $0xb8;
	[tilespmem:$0x18100] =	vst v63  }
0x1e7: {  	s31 =	simm.s32 $0x13100  }
0x1e8: {  	[tilespmem:s31], [sflag:$0x2] =	stream.indirect_vreg.gather [hbm4b:s6+s3], $0x80, v3, vm0, $0xb8;
	[tilespmem:$0x18100] =	vst v63  }
0x1e9: {  	s1 =	simm.s32 $0x13900  }
0x1ea: {  	[tilespmem:s1], [sflag:$0x2] =	stream.indirect_vreg.gather [hbm4b:s7+s3], $0x80, v3, vm0, $0xb8;
	[tilespmem:$0x18100] =	vst v63  }
0x1eb: {  	s4 =	simm.s32 $0x14100  }
0x1ec: {  	[tilespmem:s4], [sflag:$0x2] =	stream.indirect_vreg.gather [hbm4b:s8+s3], $0x80, v3, vm0, $0xb8;
	[tilespmem:$0x18100] =	vst v63  }
0x1ed: {  	s16 =	simm.s32 $0x14900  }
0x1ee: {  	[tilespmem:s16], [sflag:$0x2] =	stream.indirect_vreg.gather [hbm4b:s9+s3], $0x80, v3, vm0, $0xb8;
	[tilespmem:$0x18100] =	vst v63  }
0x1ef: {  	s18 =	simm.s32 $0x15100  }
0x1f0: {  	[tilespmem:s18], [sflag:$0x2] =	stream.indirect_vreg.gather [hbm4b:s10+s3], $0x80, v3, vm0, $0xb8;
	[tilespmem:$0x18100] =	vst v63  }
0x1f1: {  	s19 =	simm.s32 $0x15900  }
0x1f2: {  	[tilespmem:s19], [sflag:$0x2] =	stream.indirect_vreg.gather [hbm4b:s11+s3], $0x80, v3, vm0, $0xb8;
	[tilespmem:$0x18100] =	vst v63  }
0x1f3: {  	s20 =	simm.s32 $0x16100  }
0x1f4: {  	[tilespmem:s20], [sflag:$0x2] =	stream.indirect_vreg.gather [hbm4b:s12+s3], $0x80, v3, vm0, $0xb8;
	[tilespmem:$0x18100] =	vst v63  }
0x1f5: {  	s21 =	simm.s32 $0x16900  }
0x1f6: {  	[tilespmem:s21], [sflag:$0x2] =	stream.indirect_vreg.gather [hbm4b:s13+s3], $0x80, v3, vm0, $0xb8;
	[tilespmem:$0x18100] =	vst v63  }
0x1f7: {  	s24 =	simm.s32 $0x17100  }
0x1f8: {  	[tilespmem:s24], [sflag:$0x2] =	stream.indirect_vreg.gather [hbm4b:s14+s3], $0x80, v3, vm0, $0xb8;
	[tilespmem:$0x18100] =	vst v63  }
0x1f9: {  	s25 =	simm.s32 $0x17900  }
0x1fa: {  	[tilespmem:s25], [sflag:$0x2] =	stream.indirect_vreg.gather [hbm4b:s15+s3], $0x80, v3, vm0, $0xb8;
	[tilespmem:$0x18100] =	vst v63  }
0x1fb: {  	_ =	swait.ge [sflag:s22], $0xC000  }
0x1fc: {  	[sflag:s22] =	ssyncset.done $0x0  }
0x1fd: {  	s28 =	simm.s32 $0x100;
	s26 =	rddreg [dreg:$0x9];
	[sflag:s22] =	ssyncadd.s32 $0xFFFF4000  }
0x1fe: {  	[hbm4b:s26+s3] =	stream.linear.scatter [tilespmem:s28], [sflag:$0x3], $0xC000, $0x38;
	[tilespmem:$0x18100] =	vst v63  }
0x1ff: {  	_ =	swait.ge [sflag:s17], $0xC000  }
0x200: {  	[sflag:s17] =	ssyncset.done $0x0  }
0x201: {  	[sflag:s17] =	ssyncadd.s32 $0xFFFF4000  }
0x202: {  	v3 =	vld [tilespmem:$0x80];
	_ =	sdelay $0x4  }
0x203: {  	v56 =	vshrl.u32 v3, $0x3  }
0x204: {  	v4 =	vmul.u32 $0xC0, v56  }
0x205: {  	v3 =	vand.u32 $0x7, v3  }
0x206: {  	v3 =	vor.u32 v3, v4  }
0x207: {  	v4 =	vperm.xlane v3, v0;
	_ =	sdelay $0x1  }
0x208: {  	v4 =	vadd.s32 v1, v4;
	_ =	sdelay $0x4  }
0x209: {  	[tilespmem:s28], [sflag:$0x1] =	stream.indirect_vreg.gather [hbm4b:s2+s3], $0x80, v4, vm0, $0xb8;
	[tilespmem:$0x18100] =	vst v63  }
0x20a: {  	s29 =	simm.s32 $0x900  }
0x20b: {  	[tilespmem:s29], [sflag:$0x1] =	stream.indirect_vreg.gather [hbm4b:s5+s3], $0x80, v4, vm0, $0xb8;
	[tilespmem:$0x18100] =	vst v63  }
0x20c: {  	s30 =	simm.s32 $0x1100  }
0x20d: {  	[tilespmem:s30], [sflag:$0x1] =	stream.indirect_vreg.gather [hbm4b:s6+s3], $0x80, v4, vm0, $0xb8;
	[tilespmem:$0x18100] =	vst v63  }
0x20e: {  	s31 =	simm.s32 $0x1900  }
0x20f: {  	[tilespmem:s31], [sflag:$0x1] =	stream.indirect_vreg.gather [hbm4b:s7+s3], $0x80, v4, vm0, $0xb8;
	[tilespmem:$0x18100] =	vst v63  }
0x210: {  	s1 =	simm.s32 $0x2100  }
0x211: {  	[tilespmem:s1], [sflag:$0x1] =	stream.indirect_vreg.gather [hbm4b:s8+s3], $0x80, v4, vm0, $0xb8;
	[tilespmem:$0x18100] =	vst v63  }
0x212: {  	s4 =	simm.s32 $0x2900  }
0x213: {  	[tilespmem:s4], [sflag:$0x1] =	stream.indirect_vreg.gather [hbm4b:s9+s3], $0x80, v4, vm0, $0xb8;
	[tilespmem:$0x18100] =	vst v63  }
0x214: {  	s16 =	simm.s32 $0x3100  }
0x215: {  	[tilespmem:s16], [sflag:$0x1] =	stream.indirect_vreg.gather [hbm4b:s10+s3], $0x80, v4, vm0, $0xb8;
	[tilespmem:$0x18100] =	vst v63  }
0x216: {  	s18 =	simm.s32 $0x3900  }
0x217: {  	[tilespmem:s18], [sflag:$0x1] =	stream.indirect_vreg.gather [hbm4b:s11+s3], $0x80, v4, vm0, $0xb8;
	[tilespmem:$0x18100] =	vst v63  }
0x218: {  	s19 =	simm.s32 $0x4100  }
0x219: {  	[tilespmem:s19], [sflag:$0x1] =	stream.indirect_vreg.gather [hbm4b:s12+s3], $0x80, v4, vm0, $0xb8;
	[tilespmem:$0x18100] =	vst v63  }
0x21a: {  	s20 =	simm.s32 $0x4900;
	v3 =	vperm.xlane v3, v2  }
0x21b: {  	[tilespmem:s20], [sflag:$0x1] =	stream.indirect_vreg.gather [hbm4b:s13+s3], $0x80, v4, vm0, $0xb8;
	[tilespmem:$0x18100] =	vst v63  }
0x21c: {  	s21 =	simm.s32 $0x5100;
	v3 =	vadd.s32 v1, v3  }
0x21d: {  	[tilespmem:s21], [sflag:$0x1] =	stream.indirect_vreg.gather [hbm4b:s14+s3], $0x80, v4, vm0, $0xb8;
	[tilespmem:$0x18100] =	vst v63  }
0x21e: {  	s24 =	simm.s32 $0x5900  }
0x21f: {  	[tilespmem:s24], [sflag:$0x1] =	stream.indirect_vreg.gather [hbm4b:s15+s3], $0x80, v4, vm0, $0xb8;
	[tilespmem:$0x18100] =	vst v63  }
0x220: {  	s25 =	simm.s32 $0x6100  }
0x221: {  	[tilespmem:s25], [sflag:$0x1] =	stream.indirect_vreg.gather [hbm4b:s2+s3], $0x80, v3, vm0, $0xb8;
	[tilespmem:$0x18100] =	vst v63  }
0x222: {  	s26 =	simm.s32 $0x6900  }
0x223: {  	[tilespmem:s26], [sflag:$0x1] =	stream.indirect_vreg.gather [hbm4b:s5+s3], $0x80, v3, vm0, $0xb8;
	[tilespmem:$0x18100] =	vst v63  }
0x224: {  	s28 =	simm.s32 $0x7100  }
0x225: {  	[tilespmem:s28], [sflag:$0x1] =	stream.indirect_vreg.gather [hbm4b:s6+s3], $0x80, v3, vm0, $0xb8;
	[tilespmem:$0x18100] =	vst v63  }
0x226: {  	s29 =	simm.s32 $0x7900  }
0x227: {  	[tilespmem:s29], [sflag:$0x1] =	stream.indirect_vreg.gather [hbm4b:s7+s3], $0x80, v3, vm0, $0xb8;
	[tilespmem:$0x18100] =	vst v63  }
0x228: {  	s30 =	simm.s32 $0x8100  }
0x229: {  	[tilespmem:s30], [sflag:$0x1] =	stream.indirect_vreg.gather [hbm4b:s8+s3], $0x80, v3, vm0, $0xb8;
	[tilespmem:$0x18100] =	vst v63  }
0x22a: {  	s16 =	simm.s32 $0x8900  }
0x22b: {  	[tilespmem:s16], [sflag:$0x1] =	stream.indirect_vreg.gather [hbm4b:s9+s3], $0x80, v3, vm0, $0xb8;
	[tilespmem:$0x18100] =	vst v63  }
0x22c: {  	s18 =	simm.s32 $0x9100  }
0x22d: {  	[tilespmem:s18], [sflag:$0x1] =	stream.indirect_vreg.gather [hbm4b:s10+s3], $0x80, v3, vm0, $0xb8;
	[tilespmem:$0x18100] =	vst v63  }
0x22e: {  	s19 =	simm.s32 $0x9900  }
0x22f: {  	[tilespmem:s19], [sflag:$0x1] =	stream.indirect_vreg.gather [hbm4b:s11+s3], $0x80, v3, vm0, $0xb8;
	[tilespmem:$0x18100] =	vst v63  }
0x230: {  	s20 =	simm.s32 $0xA100  }
0x231: {  	[tilespmem:s20], [sflag:$0x1] =	stream.indirect_vreg.gather [hbm4b:s12+s3], $0x80, v3, vm0, $0xb8;
	[tilespmem:$0x18100] =	vst v63  }
0x232: {  	s21 =	simm.s32 $0xA900  }
0x233: {  	[tilespmem:s21], [sflag:$0x1] =	stream.indirect_vreg.gather [hbm4b:s13+s3], $0x80, v3, vm0, $0xb8;
	[tilespmem:$0x18100] =	vst v63  }
0x234: {  	s25 =	simm.s32 $0xB100  }
0x235: {  	[tilespmem:s25], [sflag:$0x1] =	stream.indirect_vreg.gather [hbm4b:s14+s3], $0x80, v3, vm0, $0xb8;
	[tilespmem:$0x18100] =	vst v63  }
0x236: {  	s26 =	simm.s32 $0xB900  }
0x237: {  	[tilespmem:s26], [sflag:$0x1] =	stream.indirect_vreg.gather [hbm4b:s15+s3], $0x80, v3, vm0, $0xb8;
	[tilespmem:$0x18100] =	vst v63  }
0x238: {  	_ =	swait.ge [sflag:s23], $0xC000  }
0x239: {  	[sflag:s23] =	ssyncset.done $0x0  }
0x23a: {  	s0 =	simm.s32 $0xC100;
	s31 =	rddreg [dreg:$0xa];
	[sflag:s23] =	ssyncadd.s32 $0xFFFF4000  }
0x23b: {  	[hbm4b:s31+s3] =	stream.linear.scatter [tilespmem:s0], [sflag:$0x3], $0xC000, $0x38;
	[tilespmem:$0x18100] =	vst v63  }
0x23c: {  	_ =	swait.ge [sflag:s17], $0xC000  }
0x23d: {  	[sflag:s17] =	ssyncset.done $0x0  }
0x23e: {  	[sflag:s17] =	ssyncadd.s32 $0xFFFF4000  }
0x23f: {  	v3 =	vld [tilespmem:$0x90];
	_ =	sdelay $0x4  }
0x240: {  	v57 =	vshrl.u32 v3, $0x3  }
0x241: {  	v4 =	vmul.u32 $0xC0, v57  }
0x242: {  	v3 =	vand.u32 $0x7, v3  }
0x243: {  	v3 =	vor.u32 v3, v4  }
0x244: {  	v4 =	vperm.xlane v3, v0;
	_ =	sdelay $0x1  }
0x245: {  	v4 =	vadd.s32 v1, v4;
	_ =	sdelay $0x4  }
0x246: {  	[tilespmem:s0], [sflag:$0x2] =	stream.indirect_vreg.gather [hbm4b:s2+s3], $0x80, v4, vm0, $0xb8;
	[tilespmem:$0x18100] =	vst v63  }
0x247: {  	s28 =	simm.s32 $0xC900  }
0x248: {  	[tilespmem:s28], [sflag:$0x2] =	stream.indirect_vreg.gather [hbm4b:s5+s3], $0x80, v4, vm0, $0xb8;
	[tilespmem:$0x18100] =	vst v63  }
0x249: {  	s29 =	simm.s32 $0xD100  }
0x24a: {  	[tilespmem:s29], [sflag:$0x2] =	stream.indirect_vreg.gather [hbm4b:s6+s3], $0x80, v4, vm0, $0xb8;
	[tilespmem:$0x18100] =	vst v63  }
0x24b: {  	s30 =	simm.s32 $0xD900  }
0x24c: {  	[tilespmem:s30], [sflag:$0x2] =	stream.indirect_vreg.gather [hbm4b:s7+s3], $0x80, v4, vm0, $0xb8;
	[tilespmem:$0x18100] =	vst v63  }
0x24d: {  	s31 =	simm.s32 $0xE100  }
0x24e: {  	[tilespmem:s31], [sflag:$0x2] =	stream.indirect_vreg.gather [hbm4b:s8+s3], $0x80, v4, vm0, $0xb8;
	[tilespmem:$0x18100] =	vst v63  }
0x24f: {  	s4 =	simm.s32 $0xE900  }
0x250: {  	[tilespmem:s4], [sflag:$0x2] =	stream.indirect_vreg.gather [hbm4b:s9+s3], $0x80, v4, vm0, $0xb8;
	[tilespmem:$0x18100] =	vst v63  }
0x251: {  	s4 =	simm.s32 $0xF100  }
0x252: {  	[tilespmem:s4], [sflag:$0x2] =	stream.indirect_vreg.gather [hbm4b:s10+s3], $0x80, v4, vm0, $0xb8;
	[tilespmem:$0x18100] =	vst v63  }
0x253: {  	s24 =	simm.s32 $0xF900  }
0x254: {  	[tilespmem:s24], [sflag:$0x2] =	stream.indirect_vreg.gather [hbm4b:s11+s3], $0x80, v4, vm0, $0xb8;
	[tilespmem:$0x18100] =	vst v63  }
0x255: {  	s1 =	simm.s32 $0x10100  }
0x256: {  	[tilespmem:s1], [sflag:$0x2] =	stream.indirect_vreg.gather [hbm4b:s12+s3], $0x80, v4, vm0, $0xb8;
	[tilespmem:$0x18100] =	vst v63  }
0x257: {  	v3 =	vperm.xlane v3, v2;
	s24 =	simm.s32 $0x10900  }
0x258: {  	[tilespmem:s24], [sflag:$0x2] =	stream.indirect_vreg.gather [hbm4b:s13+s3], $0x80, v4, vm0, $0xb8;
	[tilespmem:$0x18100] =	vst v63  }
0x259: {  	v3 =	vadd.s32 v1, v3;
	s1 =	simm.s32 $0x11100  }
0x25a: {  	[tilespmem:s1], [sflag:$0x2] =	stream.indirect_vreg.gather [hbm4b:s14+s3], $0x80, v4, vm0, $0xb8;
	[tilespmem:$0x18100] =	vst v63  }
0x25b: {  	s24 =	simm.s32 $0x11900  }
0x25c: {  	[tilespmem:s24], [sflag:$0x2] =	stream.indirect_vreg.gather [hbm4b:s15+s3], $0x80, v4, vm0, $0xb8;
	[tilespmem:$0x18100] =	vst v63  }
0x25d: {  	s1 =	simm.s32 $0x12100  }
0x25e: {  	[tilespmem:s1], [sflag:$0x2] =	stream.indirect_vreg.gather [hbm4b:s2+s3], $0x80, v3, vm0, $0xb8;
	[tilespmem:$0x18100] =	vst v63  }
0x25f: {  	s24 =	simm.s32 $0x12900  }
0x260: {  	[tilespmem:s24], [sflag:$0x2] =	stream.indirect_vreg.gather [hbm4b:s5+s3], $0x80, v3, vm0, $0xb8;
	[tilespmem:$0x18100] =	vst v63  }
0x261: {  	s1 =	simm.s32 $0x13100  }
0x262: {  	[tilespmem:s1], [sflag:$0x2] =	stream.indirect_vreg.gather [hbm4b:s6+s3], $0x80, v3, vm0, $0xb8;
	[tilespmem:$0x18100] =	vst v63  }
0x263: {  	s24 =	simm.s32 $0x13900  }
0x264: {  	[tilespmem:s24], [sflag:$0x2] =	stream.indirect_vreg.gather [hbm4b:s7+s3], $0x80, v3, vm0, $0xb8;
	[tilespmem:$0x18100] =	vst v63  }
0x265: {  	s1 =	simm.s32 $0x14100  }
0x266: {  	[tilespmem:s1], [sflag:$0x2] =	stream.indirect_vreg.gather [hbm4b:s8+s3], $0x80, v3, vm0, $0xb8;
	[tilespmem:$0x18100] =	vst v63  }
0x267: {  	s24 =	simm.s32 $0x14900  }
0x268: {  	[tilespmem:s24], [sflag:$0x2] =	stream.indirect_vreg.gather [hbm4b:s9+s3], $0x80, v3, vm0, $0xb8;
	[tilespmem:$0x18100] =	vst v63  }
0x269: {  	s1 =	simm.s32 $0x15100  }
0x26a: {  	[tilespmem:s1], [sflag:$0x2] =	stream.indirect_vreg.gather [hbm4b:s10+s3], $0x80, v3, vm0, $0xb8;
	[tilespmem:$0x18100] =	vst v63  }
0x26b: {  	s24 =	simm.s32 $0x15900  }
0x26c: {  	[tilespmem:s24], [sflag:$0x2] =	stream.indirect_vreg.gather [hbm4b:s11+s3], $0x80, v3, vm0, $0xb8;
	[tilespmem:$0x18100] =	vst v63  }
0x26d: {  	s1 =	simm.s32 $0x16100  }
0x26e: {  	[tilespmem:s1], [sflag:$0x2] =	stream.indirect_vreg.gather [hbm4b:s12+s3], $0x80, v3, vm0, $0xb8;
	[tilespmem:$0x18100] =	vst v63  }
0x26f: {  	s24 =	simm.s32 $0x16900  }
0x270: {  	[tilespmem:s24], [sflag:$0x2] =	stream.indirect_vreg.gather [hbm4b:s13+s3], $0x80, v3, vm0, $0xb8;
	[tilespmem:$0x18100] =	vst v63  }
0x271: {  	s1 =	simm.s32 $0x17100  }
0x272: {  	[tilespmem:s1], [sflag:$0x2] =	stream.indirect_vreg.gather [hbm4b:s14+s3], $0x80, v3, vm0, $0xb8;
	[tilespmem:$0x18100] =	vst v63  }
0x273: {  	s24 =	simm.s32 $0x17900  }
0x274: {  	[tilespmem:s24], [sflag:$0x2] =	stream.indirect_vreg.gather [hbm4b:s15+s3], $0x80, v3, vm0, $0xb8;
	[tilespmem:$0x18100] =	vst v63  }
0x275: {  	_ =	swait.ge [sflag:s22], $0xC000  }
0x276: {  	[sflag:s22] =	ssyncset.done $0x0  }
0x277: {  	s1 =	simm.s32 $0x100;
	s0 =	rddreg [dreg:$0xb];
	[sflag:s22] =	ssyncadd.s32 $0xFFFF4000  }
0x278: {  	[hbm4b:s0+s3] =	stream.linear.scatter [tilespmem:s1], [sflag:$0x3], $0xC000, $0x38;
	[tilespmem:$0x18100] =	vst v63  }
0x279: {  	_ =	swait.ge [sflag:s17], $0xC000  }
0x27a: {  	[sflag:s17] =	ssyncset.done $0x0  }
0x27b: {  	[sflag:s17] =	ssyncadd.s32 $0xFFFF4000  }
0x27c: {  	v3 =	vld [tilespmem:$0xA0];
	_ =	sdelay $0x4  }
0x27d: {  	v58 =	vshrl.u32 v3, $0x3  }
0x27e: {  	v4 =	vmul.u32 $0xC0, v58  }
0x27f: {  	v3 =	vand.u32 $0x7, v3  }
0x280: {  	v3 =	vor.u32 v3, v4  }
0x281: {  	v4 =	vperm.xlane v3, v0;
	_ =	sdelay $0x1  }
0x282: {  	v4 =	vadd.s32 v1, v4;
	_ =	sdelay $0x4  }
0x283: {  	[tilespmem:s1], [sflag:$0x1] =	stream.indirect_vreg.gather [hbm4b:s2+s3], $0x80, v4, vm0, $0xb8;
	[tilespmem:$0x18100] =	vst v63  }
0x284: {  	s1 =	simm.s32 $0x900  }
0x285: {  	[tilespmem:s1], [sflag:$0x1] =	stream.indirect_vreg.gather [hbm4b:s5+s3], $0x80, v4, vm0, $0xb8;
	[tilespmem:$0x18100] =	vst v63  }
0x286: {  	s1 =	simm.s32 $0x1100  }
0x287: {  	[tilespmem:s1], [sflag:$0x1] =	stream.indirect_vreg.gather [hbm4b:s6+s3], $0x80, v4, vm0, $0xb8;
	[tilespmem:$0x18100] =	vst v63  }
0x288: {  	s24 =	simm.s32 $0x1900  }
0x289: {  	[tilespmem:s24], [sflag:$0x1] =	stream.indirect_vreg.gather [hbm4b:s7+s3], $0x80, v4, vm0, $0xb8;
	[tilespmem:$0x18100] =	vst v63  }
0x28a: {  	s24 =	simm.s32 $0x2100  }
0x28b: {  	[tilespmem:s24], [sflag:$0x1] =	stream.indirect_vreg.gather [hbm4b:s8+s3], $0x80, v4, vm0, $0xb8;
	[tilespmem:$0x18100] =	vst v63  }
0x28c: {  	s24 =	simm.s32 $0x2900  }
0x28d: {  	[tilespmem:s24], [sflag:$0x1] =	stream.indirect_vreg.gather [hbm4b:s9+s3], $0x80, v4, vm0, $0xb8;
	[tilespmem:$0x18100] =	vst v63  }
0x28e: {  	s24 =	simm.s32 $0x3100  }
0x28f: {  	[tilespmem:s24], [sflag:$0x1] =	stream.indirect_vreg.gather [hbm4b:s10+s3], $0x80, v4, vm0, $0xb8;
	[tilespmem:$0x18100] =	vst v63  }
0x290: {  	s24 =	simm.s32 $0x3900  }
0x291: {  	[tilespmem:s24], [sflag:$0x1] =	stream.indirect_vreg.gather [hbm4b:s11+s3], $0x80, v4, vm0, $0xb8;
	[tilespmem:$0x18100] =	vst v63  }
0x292: {  	s24 =	simm.s32 $0x4100  }
0x293: {  	[tilespmem:s24], [sflag:$0x1] =	stream.indirect_vreg.gather [hbm4b:s12+s3], $0x80, v4, vm0, $0xb8;
	[tilespmem:$0x18100] =	vst v63  }
0x294: {  	v3 =	vperm.xlane v3, v2;
	s24 =	simm.s32 $0x4900  }
0x295: {  	[tilespmem:s24], [sflag:$0x1] =	stream.indirect_vreg.gather [hbm4b:s13+s3], $0x80, v4, vm0, $0xb8;
	[tilespmem:$0x18100] =	vst v63  }
0x296: {  	v3 =	vadd.s32 v1, v3;
	s24 =	simm.s32 $0x5100  }
0x297: {  	[tilespmem:s24], [sflag:$0x1] =	stream.indirect_vreg.gather [hbm4b:s14+s3], $0x80, v4, vm0, $0xb8;
	[tilespmem:$0x18100] =	vst v63  }
0x298: {  	s24 =	simm.s32 $0x5900  }
0x299: {  	[tilespmem:s24], [sflag:$0x1] =	stream.indirect_vreg.gather [hbm4b:s15+s3], $0x80, v4, vm0, $0xb8;
	[tilespmem:$0x18100] =	vst v63  }
0x29a: {  	s24 =	simm.s32 $0x6100  }
0x29b: {  	[tilespmem:s24], [sflag:$0x1] =	stream.indirect_vreg.gather [hbm4b:s2+s3], $0x80, v3, vm0, $0xb8;
	[tilespmem:$0x18100] =	vst v63  }
0x29c: {  	s24 =	simm.s32 $0x6900  }
0x29d: {  	[tilespmem:s24], [sflag:$0x1] =	stream.indirect_vreg.gather [hbm4b:s5+s3], $0x80, v3, vm0, $0xb8;
	[tilespmem:$0x18100] =	vst v63  }
0x29e: {  	s24 =	simm.s32 $0x7100  }
0x29f: {  	[tilespmem:s24], [sflag:$0x1] =	stream.indirect_vreg.gather [hbm4b:s6+s3], $0x80, v3, vm0, $0xb8;
	[tilespmem:$0x18100] =	vst v63  }
0x2a0: {  	s24 =	simm.s32 $0x7900  }
0x2a1: {  	[tilespmem:s24], [sflag:$0x1] =	stream.indirect_vreg.gather [hbm4b:s7+s3], $0x80, v3, vm0, $0xb8;
	[tilespmem:$0x18100] =	vst v63  }
0x2a2: {  	s24 =	simm.s32 $0x8100  }
0x2a3: {  	[tilespmem:s24], [sflag:$0x1] =	stream.indirect_vreg.gather [hbm4b:s8+s3], $0x80, v3, vm0, $0xb8;
	[tilespmem:$0x18100] =	vst v63  }
0x2a4: {  	_ = 	snop  }
0x2a5: {  	[tilespmem:s16], [sflag:$0x1] =	stream.indirect_vreg.gather [hbm4b:s9+s3], $0x80, v3, vm0, $0xb8;
	[tilespmem:$0x18100] =	vst v63  }
0x2a6: {  	_ = 	snop  }
0x2a7: {  	[tilespmem:s18], [sflag:$0x1] =	stream.indirect_vreg.gather [hbm4b:s10+s3], $0x80, v3, vm0, $0xb8;
	[tilespmem:$0x18100] =	vst v63  }
0x2a8: {  	_ = 	snop  }
0x2a9: {  	[tilespmem:s19], [sflag:$0x1] =	stream.indirect_vreg.gather [hbm4b:s11+s3], $0x80, v3, vm0, $0xb8;
	[tilespmem:$0x18100] =	vst v63  }
0x2aa: {  	_ = 	snop  }
0x2ab: {  	[tilespmem:s20], [sflag:$0x1] =	stream.indirect_vreg.gather [hbm4b:s12+s3], $0x80, v3, vm0, $0xb8;
	[tilespmem:$0x18100] =	vst v63  }
0x2ac: {  	_ = 	snop  }
0x2ad: {  	[tilespmem:s21], [sflag:$0x1] =	stream.indirect_vreg.gather [hbm4b:s13+s3], $0x80, v3, vm0, $0xb8;
	[tilespmem:$0x18100] =	vst v63  }
0x2ae: {  	_ = 	snop  }
0x2af: {  	[tilespmem:s25], [sflag:$0x1] =	stream.indirect_vreg.gather [hbm4b:s14+s3], $0x80, v3, vm0, $0xb8;
	[tilespmem:$0x18100] =	vst v63  }
0x2b0: {  	_ = 	snop  }
0x2b1: {  	[tilespmem:s26], [sflag:$0x1] =	stream.indirect_vreg.gather [hbm4b:s15+s3], $0x80, v3, vm0, $0xb8;
	[tilespmem:$0x18100] =	vst v63  }
0x2b2: {  	_ =	swait.ge [sflag:s23], $0xC000  }
0x2b3: {  	[sflag:s23] =	ssyncset.done $0x0  }
0x2b4: {  	s20 =	simm.s32 $0xC100;
	s19 =	rddreg [dreg:$0xc];
	[sflag:s23] =	ssyncadd.s32 $0xFFFF4000  }
0x2b5: {  	[hbm4b:s19+s3] =	stream.linear.scatter [tilespmem:s20], [sflag:$0x3], $0xC000, $0x38;
	[tilespmem:$0x18100] =	vst v63  }
0x2b6: {  	_ =	swait.ge [sflag:s17], $0xC000  }
0x2b7: {  	[sflag:s17] =	ssyncset.done $0x0  }
0x2b8: {  	[sflag:s17] =	ssyncadd.s32 $0xFFFF4000  }
0x2b9: {  	v3 =	vld [tilespmem:$0xB0];
	_ =	sdelay $0x4  }
0x2ba: {  	v59 =	vshrl.u32 v3, $0x3  }
0x2bb: {  	v4 =	vmul.u32 $0xC0, v59  }
0x2bc: {  	v3 =	vand.u32 $0x7, v3  }
0x2bd: {  	v3 =	vor.u32 v3, v4  }
0x2be: {  	v4 =	vperm.xlane v3, v0;
	_ =	sdelay $0x1  }
0x2bf: {  	v4 =	vadd.s32 v1, v4;
	_ =	sdelay $0x4  }
0x2c0: {  	[tilespmem:s20], [sflag:$0x2] =	stream.indirect_vreg.gather [hbm4b:s2+s3], $0x80, v4, vm0, $0xb8;
	[tilespmem:$0x18100] =	vst v63  }
0x2c1: {  	_ = 	snop  }
0x2c2: {  	[tilespmem:s28], [sflag:$0x2] =	stream.indirect_vreg.gather [hbm4b:s5+s3], $0x80, v4, vm0, $0xb8;
	[tilespmem:$0x18100] =	vst v63  }
0x2c3: {  	_ = 	snop  }
0x2c4: {  	[tilespmem:s29], [sflag:$0x2] =	stream.indirect_vreg.gather [hbm4b:s6+s3], $0x80, v4, vm0, $0xb8;
	[tilespmem:$0x18100] =	vst v63  }
0x2c5: {  	_ = 	snop  }
0x2c6: {  	[tilespmem:s30], [sflag:$0x2] =	stream.indirect_vreg.gather [hbm4b:s7+s3], $0x80, v4, vm0, $0xb8;
	[tilespmem:$0x18100] =	vst v63  }
0x2c7: {  	_ = 	snop  }
0x2c8: {  	[tilespmem:s31], [sflag:$0x2] =	stream.indirect_vreg.gather [hbm4b:s8+s3], $0x80, v4, vm0, $0xb8;
	[tilespmem:$0x18100] =	vst v63  }
0x2c9: {  	s21 =	simm.s32 $0xE900  }
0x2ca: {  	[tilespmem:s21], [sflag:$0x2] =	stream.indirect_vreg.gather [hbm4b:s9+s3], $0x80, v4, vm0, $0xb8;
	[tilespmem:$0x18100] =	vst v63  }
0x2cb: {  	_ = 	snop  }
0x2cc: {  	[tilespmem:s4], [sflag:$0x2] =	stream.indirect_vreg.gather [hbm4b:s10+s3], $0x80, v4, vm0, $0xb8;
	[tilespmem:$0x18100] =	vst v63  }
0x2cd: {  	s24 =	simm.s32 $0xF900  }
0x2ce: {  	[tilespmem:s24], [sflag:$0x2] =	stream.indirect_vreg.gather [hbm4b:s11+s3], $0x80, v4, vm0, $0xb8;
	[tilespmem:$0x18100] =	vst v63  }
0x2cf: {  	s25 =	simm.s32 $0x10100  }
0x2d0: {  	[tilespmem:s25], [sflag:$0x2] =	stream.indirect_vreg.gather [hbm4b:s12+s3], $0x80, v4, vm0, $0xb8;
	[tilespmem:$0x18100] =	vst v63  }
0x2d1: {  	s26 =	simm.s32 $0x10900;
	v3 =	vperm.xlane v3, v2  }
0x2d2: {  	[tilespmem:s26], [sflag:$0x2] =	stream.indirect_vreg.gather [hbm4b:s13+s3], $0x80, v4, vm0, $0xb8;
	[tilespmem:$0x18100] =	vst v63  }
0x2d3: {  	v3 =	vadd.s32 v1, v3;
	s28 =	simm.s32 $0x11100  }
0x2d4: {  	[tilespmem:s28], [sflag:$0x2] =	stream.indirect_vreg.gather [hbm4b:s14+s3], $0x80, v4, vm0, $0xb8;
	[tilespmem:$0x18100] =	vst v63  }
0x2d5: {  	s29 =	simm.s32 $0x11900  }
0x2d6: {  	[tilespmem:s29], [sflag:$0x2] =	stream.indirect_vreg.gather [hbm4b:s15+s3], $0x80, v4, vm0, $0xb8;
	[tilespmem:$0x18100] =	vst v63  }
0x2d7: {  	s30 =	simm.s32 $0x12100  }
0x2d8: {  	[tilespmem:s30], [sflag:$0x2] =	stream.indirect_vreg.gather [hbm4b:s2+s3], $0x80, v3, vm0, $0xb8;
	[tilespmem:$0x18100] =	vst v63  }
0x2d9: {  	s31 =	simm.s32 $0x12900  }
0x2da: {  	[tilespmem:s31], [sflag:$0x2] =	stream.indirect_vreg.gather [hbm4b:s5+s3], $0x80, v3, vm0, $0xb8;
	[tilespmem:$0x18100] =	vst v63  }
0x2db: {  	s4 =	simm.s32 $0x13100  }
0x2dc: {  	[tilespmem:s4], [sflag:$0x2] =	stream.indirect_vreg.gather [hbm4b:s6+s3], $0x80, v3, vm0, $0xb8;
	[tilespmem:$0x18100] =	vst v63  }
0x2dd: {  	s16 =	simm.s32 $0x13900  }
0x2de: {  	[tilespmem:s16], [sflag:$0x2] =	stream.indirect_vreg.gather [hbm4b:s7+s3], $0x80, v3, vm0, $0xb8;
	[tilespmem:$0x18100] =	vst v63  }
0x2df: {  	s18 =	simm.s32 $0x14100  }
0x2e0: {  	[tilespmem:s18], [sflag:$0x2] =	stream.indirect_vreg.gather [hbm4b:s8+s3], $0x80, v3, vm0, $0xb8;
	[tilespmem:$0x18100] =	vst v63  }
0x2e1: {  	s19 =	simm.s32 $0x14900  }
0x2e2: {  	[tilespmem:s19], [sflag:$0x2] =	stream.indirect_vreg.gather [hbm4b:s9+s3], $0x80, v3, vm0, $0xb8;
	[tilespmem:$0x18100] =	vst v63  }
0x2e3: {  	s21 =	simm.s32 $0x15100  }
0x2e4: {  	[tilespmem:s21], [sflag:$0x2] =	stream.indirect_vreg.gather [hbm4b:s10+s3], $0x80, v3, vm0, $0xb8;
	[tilespmem:$0x18100] =	vst v63  }
0x2e5: {  	s24 =	simm.s32 $0x15900  }
0x2e6: {  	[tilespmem:s24], [sflag:$0x2] =	stream.indirect_vreg.gather [hbm4b:s11+s3], $0x80, v3, vm0, $0xb8;
	[tilespmem:$0x18100] =	vst v63  }
0x2e7: {  	s25 =	simm.s32 $0x16100  }
0x2e8: {  	[tilespmem:s25], [sflag:$0x2] =	stream.indirect_vreg.gather [hbm4b:s12+s3], $0x80, v3, vm0, $0xb8;
	[tilespmem:$0x18100] =	vst v63  }
0x2e9: {  	s26 =	simm.s32 $0x16900  }
0x2ea: {  	[tilespmem:s26], [sflag:$0x2] =	stream.indirect_vreg.gather [hbm4b:s13+s3], $0x80, v3, vm0, $0xb8;
	[tilespmem:$0x18100] =	vst v63  }
0x2eb: {  	s28 =	simm.s32 $0x17100  }
0x2ec: {  	[tilespmem:s28], [sflag:$0x2] =	stream.indirect_vreg.gather [hbm4b:s14+s3], $0x80, v3, vm0, $0xb8;
	[tilespmem:$0x18100] =	vst v63  }
0x2ed: {  	s29 =	simm.s32 $0x17900  }
0x2ee: {  	[tilespmem:s29], [sflag:$0x2] =	stream.indirect_vreg.gather [hbm4b:s15+s3], $0x80, v3, vm0, $0xb8;
	[tilespmem:$0x18100] =	vst v63  }
0x2ef: {  	_ =	swait.ge [sflag:s22], $0xC000  }
0x2f0: {  	[sflag:s22] =	ssyncset.done $0x0  }
0x2f1: {  	s31 =	simm.s32 $0x100;
	s30 =	rddreg [dreg:$0xd];
	[sflag:s22] =	ssyncadd.s32 $0xFFFF4000  }
0x2f2: {  	[hbm4b:s30+s3] =	stream.linear.scatter [tilespmem:s31], [sflag:$0x3], $0xC000, $0x38;
	[tilespmem:$0x18100] =	vst v63  }
0x2f3: {  	_ =	swait.ge [sflag:s17], $0xC000  }
0x2f4: {  	[sflag:s17] =	ssyncset.done $0x0  }
0x2f5: {  	[sflag:s17] =	ssyncadd.s32 $0xFFFF4000  }
0x2f6: {  	v3 =	vld [tilespmem:$0xC0];
	_ =	sdelay $0x4  }
0x2f7: {  	v60 =	vshrl.u32 v3, $0x3  }
0x2f8: {  	v4 =	vmul.u32 $0xC0, v60  }
0x2f9: {  	v3 =	vand.u32 $0x7, v3  }
0x2fa: {  	v3 =	vor.u32 v3, v4  }
0x2fb: {  	v4 =	vperm.xlane v3, v0;
	_ =	sdelay $0x1  }
0x2fc: {  	v4 =	vadd.s32 v1, v4;
	_ =	sdelay $0x4  }
0x2fd: {  	[tilespmem:s31], [sflag:$0x1] =	stream.indirect_vreg.gather [hbm4b:s2+s3], $0x80, v4, vm0, $0xb8;
	[tilespmem:$0x18100] =	vst v63  }
0x2fe: {  	s4 =	simm.s32 $0x900  }
0x2ff: {  	[tilespmem:s4], [sflag:$0x1] =	stream.indirect_vreg.gather [hbm4b:s5+s3], $0x80, v4, vm0, $0xb8;
	[tilespmem:$0x18100] =	vst v63  }
0x300: {  	_ = 	snop  }
0x301: {  	[tilespmem:s1], [sflag:$0x1] =	stream.indirect_vreg.gather [hbm4b:s6+s3], $0x80, v4, vm0, $0xb8;
	[tilespmem:$0x18100] =	vst v63  }
0x302: {  	s16 =	simm.s32 $0x1900  }
0x303: {  	[tilespmem:s16], [sflag:$0x1] =	stream.indirect_vreg.gather [hbm4b:s7+s3], $0x80, v4, vm0, $0xb8;
	[tilespmem:$0x18100] =	vst v63  }
0x304: {  	s0 =	simm.s32 $0x2100  }
0x305: {  	[tilespmem:s0], [sflag:$0x1] =	stream.indirect_vreg.gather [hbm4b:s8+s3], $0x80, v4, vm0, $0xb8;
	[tilespmem:$0x18100] =	vst v63  }
0x306: {  	s4 =	simm.s32 $0x2900  }
0x307: {  	[tilespmem:s4], [sflag:$0x1] =	stream.indirect_vreg.gather [hbm4b:s9+s3], $0x80, v4, vm0, $0xb8;
	[tilespmem:$0x18100] =	vst v63  }
0x308: {  	s16 =	simm.s32 $0x3100  }
0x309: {  	[tilespmem:s16], [sflag:$0x1] =	stream.indirect_vreg.gather [hbm4b:s10+s3], $0x80, v4, vm0, $0xb8;
	[tilespmem:$0x18100] =	vst v63  }
0x30a: {  	s18 =	simm.s32 $0x3900  }
0x30b: {  	[tilespmem:s18], [sflag:$0x1] =	stream.indirect_vreg.gather [hbm4b:s11+s3], $0x80, v4, vm0, $0xb8;
	[tilespmem:$0x18100] =	vst v63  }
0x30c: {  	s19 =	simm.s32 $0x4100  }
0x30d: {  	[tilespmem:s19], [sflag:$0x1] =	stream.indirect_vreg.gather [hbm4b:s12+s3], $0x80, v4, vm0, $0xb8;
	[tilespmem:$0x18100] =	vst v63  }
0x30e: {  	s24 =	simm.s32 $0x4900;
	v3 =	vperm.xlane v3, v2  }
0x30f: {  	[tilespmem:s24], [sflag:$0x1] =	stream.indirect_vreg.gather [hbm4b:s13+s3], $0x80, v4, vm0, $0xb8;
	[tilespmem:$0x18100] =	vst v63  }
0x310: {  	s25 =	simm.s32 $0x5100;
	v3 =	vadd.s32 v1, v3  }
0x311: {  	[tilespmem:s25], [sflag:$0x1] =	stream.indirect_vreg.gather [hbm4b:s14+s3], $0x80, v4, vm0, $0xb8;
	[tilespmem:$0x18100] =	vst v63  }
0x312: {  	s26 =	simm.s32 $0x5900  }
0x313: {  	[tilespmem:s26], [sflag:$0x1] =	stream.indirect_vreg.gather [hbm4b:s15+s3], $0x80, v4, vm0, $0xb8;
	[tilespmem:$0x18100] =	vst v63  }
0x314: {  	s28 =	simm.s32 $0x6100  }
0x315: {  	[tilespmem:s28], [sflag:$0x1] =	stream.indirect_vreg.gather [hbm4b:s2+s3], $0x80, v3, vm0, $0xb8;
	[tilespmem:$0x18100] =	vst v63  }
0x316: {  	s29 =	simm.s32 $0x6900  }
0x317: {  	[tilespmem:s29], [sflag:$0x1] =	stream.indirect_vreg.gather [hbm4b:s5+s3], $0x80, v3, vm0, $0xb8;
	[tilespmem:$0x18100] =	vst v63  }
0x318: {  	s30 =	simm.s32 $0x7100  }
0x319: {  	[tilespmem:s30], [sflag:$0x1] =	stream.indirect_vreg.gather [hbm4b:s6+s3], $0x80, v3, vm0, $0xb8;
	[tilespmem:$0x18100] =	vst v63  }
0x31a: {  	s31 =	simm.s32 $0x7900  }
0x31b: {  	[tilespmem:s31], [sflag:$0x1] =	stream.indirect_vreg.gather [hbm4b:s7+s3], $0x80, v3, vm0, $0xb8;
	[tilespmem:$0x18100] =	vst v63  }
0x31c: {  	s1 =	simm.s32 $0x8100  }
0x31d: {  	[tilespmem:s1], [sflag:$0x1] =	stream.indirect_vreg.gather [hbm4b:s8+s3], $0x80, v3, vm0, $0xb8;
	[tilespmem:$0x18100] =	vst v63  }
0x31e: {  	s1 =	simm.s32 $0x8900  }
0x31f: {  	[tilespmem:s1], [sflag:$0x1] =	stream.indirect_vreg.gather [hbm4b:s9+s3], $0x80, v3, vm0, $0xb8;
	[tilespmem:$0x18100] =	vst v63  }
0x320: {  	s18 =	simm.s32 $0x9100  }
0x321: {  	[tilespmem:s18], [sflag:$0x1] =	stream.indirect_vreg.gather [hbm4b:s10+s3], $0x80, v3, vm0, $0xb8;
	[tilespmem:$0x18100] =	vst v63  }
0x322: {  	s19 =	simm.s32 $0x9900  }
0x323: {  	[tilespmem:s19], [sflag:$0x1] =	stream.indirect_vreg.gather [hbm4b:s11+s3], $0x80, v3, vm0, $0xb8;
	[tilespmem:$0x18100] =	vst v63  }
0x324: {  	s24 =	simm.s32 $0xA100  }
0x325: {  	[tilespmem:s24], [sflag:$0x1] =	stream.indirect_vreg.gather [hbm4b:s12+s3], $0x80, v3, vm0, $0xb8;
	[tilespmem:$0x18100] =	vst v63  }
0x326: {  	s24 =	simm.s32 $0xA900  }
0x327: {  	[tilespmem:s24], [sflag:$0x1] =	stream.indirect_vreg.gather [hbm4b:s13+s3], $0x80, v3, vm0, $0xb8;
	[tilespmem:$0x18100] =	vst v63  }
0x328: {  	s24 =	simm.s32 $0xB100  }
0x329: {  	[tilespmem:s24], [sflag:$0x1] =	stream.indirect_vreg.gather [hbm4b:s14+s3], $0x80, v3, vm0, $0xb8;
	[tilespmem:$0x18100] =	vst v63  }
0x32a: {  	s24 =	simm.s32 $0xB900  }
0x32b: {  	[tilespmem:s24], [sflag:$0x1] =	stream.indirect_vreg.gather [hbm4b:s15+s3], $0x80, v3, vm0, $0xb8;
	[tilespmem:$0x18100] =	vst v63  }
0x32c: {  	_ =	swait.ge [sflag:s23], $0xC000  }
0x32d: {  	[sflag:s23] =	ssyncset.done $0x0  }
0x32e: {  	s20 =	simm.s32 $0xC100;
	s24 =	rddreg [dreg:$0xe];
	[sflag:s23] =	ssyncadd.s32 $0xFFFF4000  }
0x32f: {  	[hbm4b:s24+s3] =	stream.linear.scatter [tilespmem:s20], [sflag:$0x3], $0xC000, $0x38;
	[tilespmem:$0x18100] =	vst v63  }
0x330: {  	_ =	swait.ge [sflag:s17], $0xC000  }
0x331: {  	[sflag:s17] =	ssyncset.done $0x0  }
0x332: {  	[sflag:s17] =	ssyncadd.s32 $0xFFFF4000  }
0x333: {  	v3 =	vld [tilespmem:$0xD0];
	_ =	sdelay $0x4  }
0x334: {  	v61 =	vshrl.u32 v3, $0x3  }
0x335: {  	v4 =	vmul.u32 $0xC0, v61  }
0x336: {  	v3 =	vand.u32 $0x7, v3  }
0x337: {  	v3 =	vor.u32 v3, v4  }
0x338: {  	v4 =	vperm.xlane v3, v0;
	_ =	sdelay $0x1  }
0x339: {  	v4 =	vadd.s32 v1, v4;
	_ =	sdelay $0x4  }
0x33a: {  	[tilespmem:s20], [sflag:$0x2] =	stream.indirect_vreg.gather [hbm4b:s2+s3], $0x80, v4, vm0, $0xb8;
	[tilespmem:$0x18100] =	vst v63  }
0x33b: {  	s24 =	simm.s32 $0xC900  }
0x33c: {  	[tilespmem:s24], [sflag:$0x2] =	stream.indirect_vreg.gather [hbm4b:s5+s3], $0x80, v4, vm0, $0xb8;
	[tilespmem:$0x18100] =	vst v63  }
0x33d: {  	s24 =	simm.s32 $0xD100  }
0x33e: {  	[tilespmem:s24], [sflag:$0x2] =	stream.indirect_vreg.gather [hbm4b:s6+s3], $0x80, v4, vm0, $0xb8;
	[tilespmem:$0x18100] =	vst v63  }
0x33f: {  	s24 =	simm.s32 $0xD900  }
0x340: {  	[tilespmem:s24], [sflag:$0x2] =	stream.indirect_vreg.gather [hbm4b:s7+s3], $0x80, v4, vm0, $0xb8;
	[tilespmem:$0x18100] =	vst v63  }
0x341: {  	s24 =	simm.s32 $0xE100  }
0x342: {  	[tilespmem:s24], [sflag:$0x2] =	stream.indirect_vreg.gather [hbm4b:s8+s3], $0x80, v4, vm0, $0xb8;
	[tilespmem:$0x18100] =	vst v63  }
0x343: {  	s24 =	simm.s32 $0xE900  }
0x344: {  	[tilespmem:s24], [sflag:$0x2] =	stream.indirect_vreg.gather [hbm4b:s9+s3], $0x80, v4, vm0, $0xb8;
	[tilespmem:$0x18100] =	vst v63  }
0x345: {  	s24 =	simm.s32 $0xF100  }
0x346: {  	[tilespmem:s24], [sflag:$0x2] =	stream.indirect_vreg.gather [hbm4b:s10+s3], $0x80, v4, vm0, $0xb8;
	[tilespmem:$0x18100] =	vst v63  }
0x347: {  	s24 =	simm.s32 $0xF900  }
0x348: {  	[tilespmem:s24], [sflag:$0x2] =	stream.indirect_vreg.gather [hbm4b:s11+s3], $0x80, v4, vm0, $0xb8;
	[tilespmem:$0x18100] =	vst v63  }
0x349: {  	s24 =	simm.s32 $0x10100  }
0x34a: {  	[tilespmem:s24], [sflag:$0x2] =	stream.indirect_vreg.gather [hbm4b:s12+s3], $0x80, v4, vm0, $0xb8;
	[tilespmem:$0x18100] =	vst v63  }
0x34b: {  	v3 =	vperm.xlane v3, v2;
	s24 =	simm.s32 $0x10900  }
0x34c: {  	[tilespmem:s24], [sflag:$0x2] =	stream.indirect_vreg.gather [hbm4b:s13+s3], $0x80, v4, vm0, $0xb8;
	[tilespmem:$0x18100] =	vst v63  }
0x34d: {  	v3 =	vadd.s32 v1, v3;
	s24 =	simm.s32 $0x11100  }
0x34e: {  	[tilespmem:s24], [sflag:$0x2] =	stream.indirect_vreg.gather [hbm4b:s14+s3], $0x80, v4, vm0, $0xb8;
	[tilespmem:$0x18100] =	vst v63  }
0x34f: {  	s24 =	simm.s32 $0x11900  }
0x350: {  	[tilespmem:s24], [sflag:$0x2] =	stream.indirect_vreg.gather [hbm4b:s15+s3], $0x80, v4, vm0, $0xb8;
	[tilespmem:$0x18100] =	vst v63  }
0x351: {  	s24 =	simm.s32 $0x12100  }
0x352: {  	[tilespmem:s24], [sflag:$0x2] =	stream.indirect_vreg.gather [hbm4b:s2+s3], $0x80, v3, vm0, $0xb8;
	[tilespmem:$0x18100] =	vst v63  }
0x353: {  	s24 =	simm.s32 $0x12900  }
0x354: {  	[tilespmem:s24], [sflag:$0x2] =	stream.indirect_vreg.gather [hbm4b:s5+s3], $0x80, v3, vm0, $0xb8;
	[tilespmem:$0x18100] =	vst v63  }
0x355: {  	s24 =	simm.s32 $0x13100  }
0x356: {  	[tilespmem:s24], [sflag:$0x2] =	stream.indirect_vreg.gather [hbm4b:s6+s3], $0x80, v3, vm0, $0xb8;
	[tilespmem:$0x18100] =	vst v63  }
0x357: {  	s24 =	simm.s32 $0x13900  }
0x358: {  	[tilespmem:s24], [sflag:$0x2] =	stream.indirect_vreg.gather [hbm4b:s7+s3], $0x80, v3, vm0, $0xb8;
	[tilespmem:$0x18100] =	vst v63  }
0x359: {  	s24 =	simm.s32 $0x14100  }
0x35a: {  	[tilespmem:s24], [sflag:$0x2] =	stream.indirect_vreg.gather [hbm4b:s8+s3], $0x80, v3, vm0, $0xb8;
	[tilespmem:$0x18100] =	vst v63  }
0x35b: {  	s24 =	simm.s32 $0x14900  }
0x35c: {  	[tilespmem:s24], [sflag:$0x2] =	stream.indirect_vreg.gather [hbm4b:s9+s3], $0x80, v3, vm0, $0xb8;
	[tilespmem:$0x18100] =	vst v63  }
0x35d: {  	s24 =	simm.s32 $0x15100  }
0x35e: {  	[tilespmem:s24], [sflag:$0x2] =	stream.indirect_vreg.gather [hbm4b:s10+s3], $0x80, v3, vm0, $0xb8;
	[tilespmem:$0x18100] =	vst v63  }
0x35f: {  	s24 =	simm.s32 $0x15900  }
0x360: {  	[tilespmem:s24], [sflag:$0x2] =	stream.indirect_vreg.gather [hbm4b:s11+s3], $0x80, v3, vm0, $0xb8;
	[tilespmem:$0x18100] =	vst v63  }
0x361: {  	s24 =	simm.s32 $0x16100  }
0x362: {  	[tilespmem:s24], [sflag:$0x2] =	stream.indirect_vreg.gather [hbm4b:s12+s3], $0x80, v3, vm0, $0xb8;
	[tilespmem:$0x18100] =	vst v63  }
0x363: {  	s24 =	simm.s32 $0x16900  }
0x364: {  	[tilespmem:s24], [sflag:$0x2] =	stream.indirect_vreg.gather [hbm4b:s13+s3], $0x80, v3, vm0, $0xb8;
	[tilespmem:$0x18100] =	vst v63  }
0x365: {  	s24 =	simm.s32 $0x17100  }
0x366: {  	[tilespmem:s24], [sflag:$0x2] =	stream.indirect_vreg.gather [hbm4b:s14+s3], $0x80, v3, vm0, $0xb8;
	[tilespmem:$0x18100] =	vst v63  }
0x367: {  	s24 =	simm.s32 $0x17900  }
0x368: {  	[tilespmem:s24], [sflag:$0x2] =	stream.indirect_vreg.gather [hbm4b:s15+s3], $0x80, v3, vm0, $0xb8;
	[tilespmem:$0x18100] =	vst v63  }
0x369: {  	_ =	swait.ge [sflag:s22], $0xC000  }
0x36a: {  	[sflag:s22] =	ssyncset.done $0x0  }
0x36b: {  	s21 =	simm.s32 $0x100;
	s24 =	rddreg [dreg:$0xf];
	[sflag:s22] =	ssyncadd.s32 $0xFFFF4000  }
0x36c: {  	[hbm4b:s24+s3] =	stream.linear.scatter [tilespmem:s21], [sflag:$0x3], $0xC000, $0x38;
	[tilespmem:$0x18100] =	vst v63  }
0x36d: {  	_ =	swait.ge [sflag:s17], $0xC000  }
0x36e: {  	[sflag:s17] =	ssyncset.done $0x0  }
0x36f: {  	[sflag:s17] =	ssyncadd.s32 $0xFFFF4000  }
0x370: {  	v3 =	vld [tilespmem:$0xE0];
	_ =	sdelay $0x4  }
0x371: {  	v62 =	vshrl.u32 v3, $0x3  }
0x372: {  	v4 =	vmul.u32 $0xC0, v62  }
0x373: {  	v3 =	vand.u32 $0x7, v3  }
0x374: {  	v3 =	vor.u32 v3, v4  }
0x375: {  	v4 =	vperm.xlane v3, v0;
	_ =	sdelay $0x1  }
0x376: {  	v4 =	vadd.s32 v1, v4;
	_ =	sdelay $0x4  }
0x377: {  	[tilespmem:s21], [sflag:$0x1] =	stream.indirect_vreg.gather [hbm4b:s2+s3], $0x80, v4, vm0, $0xb8;
	[tilespmem:$0x18100] =	vst v63  }
0x378: {  	s24 =	simm.s32 $0x900  }
0x379: {  	[tilespmem:s24], [sflag:$0x1] =	stream.indirect_vreg.gather [hbm4b:s5+s3], $0x80, v4, vm0, $0xb8;
	[tilespmem:$0x18100] =	vst v63  }
0x37a: {  	s24 =	simm.s32 $0x1100  }
0x37b: {  	[tilespmem:s24], [sflag:$0x1] =	stream.indirect_vreg.gather [hbm4b:s6+s3], $0x80, v4, vm0, $0xb8;
	[tilespmem:$0x18100] =	vst v63  }
0x37c: {  	s24 =	simm.s32 $0x1900  }
0x37d: {  	[tilespmem:s24], [sflag:$0x1] =	stream.indirect_vreg.gather [hbm4b:s7+s3], $0x80, v4, vm0, $0xb8;
	[tilespmem:$0x18100] =	vst v63  }
0x37e: {  	_ = 	snop  }
0x37f: {  	[tilespmem:s0], [sflag:$0x1] =	stream.indirect_vreg.gather [hbm4b:s8+s3], $0x80, v4, vm0, $0xb8;
	[tilespmem:$0x18100] =	vst v63  }
0x380: {  	_ = 	snop  }
0x381: {  	[tilespmem:s4], [sflag:$0x1] =	stream.indirect_vreg.gather [hbm4b:s9+s3], $0x80, v4, vm0, $0xb8;
	[tilespmem:$0x18100] =	vst v63  }
0x382: {  	_ = 	snop  }
0x383: {  	[tilespmem:s16], [sflag:$0x1] =	stream.indirect_vreg.gather [hbm4b:s10+s3], $0x80, v4, vm0, $0xb8;
	[tilespmem:$0x18100] =	vst v63  }
0x384: {  	s16 =	simm.s32 $0x3900  }
0x385: {  	[tilespmem:s16], [sflag:$0x1] =	stream.indirect_vreg.gather [hbm4b:s11+s3], $0x80, v4, vm0, $0xb8;
	[tilespmem:$0x18100] =	vst v63  }
0x386: {  	s24 =	simm.s32 $0x4100  }
0x387: {  	[tilespmem:s24], [sflag:$0x1] =	stream.indirect_vreg.gather [hbm4b:s12+s3], $0x80, v4, vm0, $0xb8;
	[tilespmem:$0x18100] =	vst v63  }
0x388: {  	v3 =	vperm.xlane v3, v2;
	s4 =	simm.s32 $0x4900  }
0x389: {  	[tilespmem:s4], [sflag:$0x1] =	stream.indirect_vreg.gather [hbm4b:s13+s3], $0x80, v4, vm0, $0xb8;
	[tilespmem:$0x18100] =	vst v63  }
0x38a: {  	s25 =	simm.s32 $0x5100;
	v3 =	vadd.s32 v1, v3  }
0x38b: {  	[tilespmem:s25], [sflag:$0x1] =	stream.indirect_vreg.gather [hbm4b:s14+s3], $0x80, v4, vm0, $0xb8;
	[tilespmem:$0x18100] =	vst v63  }
0x38c: {  	s26 =	simm.s32 $0x5900  }
0x38d: {  	[tilespmem:s26], [sflag:$0x1] =	stream.indirect_vreg.gather [hbm4b:s15+s3], $0x80, v4, vm0, $0xb8;
	[tilespmem:$0x18100] =	vst v63  }
0x38e: {  	s28 =	simm.s32 $0x6100  }
0x38f: {  	[tilespmem:s28], [sflag:$0x1] =	stream.indirect_vreg.gather [hbm4b:s2+s3], $0x80, v3, vm0, $0xb8;
	[tilespmem:$0x18100] =	vst v63  }
0x390: {  	s29 =	simm.s32 $0x6900  }
0x391: {  	[tilespmem:s29], [sflag:$0x1] =	stream.indirect_vreg.gather [hbm4b:s5+s3], $0x80, v3, vm0, $0xb8;
	[tilespmem:$0x18100] =	vst v63  }
0x392: {  	s30 =	simm.s32 $0x7100  }
0x393: {  	[tilespmem:s30], [sflag:$0x1] =	stream.indirect_vreg.gather [hbm4b:s6+s3], $0x80, v3, vm0, $0xb8;
	[tilespmem:$0x18100] =	vst v63  }
0x394: {  	s31 =	simm.s32 $0x7900  }
0x395: {  	[tilespmem:s31], [sflag:$0x1] =	stream.indirect_vreg.gather [hbm4b:s7+s3], $0x80, v3, vm0, $0xb8;
	[tilespmem:$0x18100] =	vst v63  }
0x396: {  	s16 =	simm.s32 $0x8100  }
0x397: {  	[tilespmem:s16], [sflag:$0x1] =	stream.indirect_vreg.gather [hbm4b:s8+s3], $0x80, v3, vm0, $0xb8;
	[tilespmem:$0x18100] =	vst v63  }
0x398: {  	_ = 	snop  }
0x399: {  	[tilespmem:s1], [sflag:$0x1] =	stream.indirect_vreg.gather [hbm4b:s9+s3], $0x80, v3, vm0, $0xb8;
	[tilespmem:$0x18100] =	vst v63  }
0x39a: {  	_ = 	snop  }
0x39b: {  	[tilespmem:s18], [sflag:$0x1] =	stream.indirect_vreg.gather [hbm4b:s10+s3], $0x80, v3, vm0, $0xb8;
	[tilespmem:$0x18100] =	vst v63  }
0x39c: {  	_ = 	snop  }
0x39d: {  	[tilespmem:s19], [sflag:$0x1] =	stream.indirect_vreg.gather [hbm4b:s11+s3], $0x80, v3, vm0, $0xb8;
	[tilespmem:$0x18100] =	vst v63  }
0x39e: {  	s19 =	simm.s32 $0xA100  }
0x39f: {  	[tilespmem:s19], [sflag:$0x1] =	stream.indirect_vreg.gather [hbm4b:s12+s3], $0x80, v3, vm0, $0xb8;
	[tilespmem:$0x18100] =	vst v63  }
0x3a0: {  	s24 =	simm.s32 $0xA900  }
0x3a1: {  	[tilespmem:s24], [sflag:$0x1] =	stream.indirect_vreg.gather [hbm4b:s13+s3], $0x80, v3, vm0, $0xb8;
	[tilespmem:$0x18100] =	vst v63  }
0x3a2: {  	s25 =	simm.s32 $0xB100  }
0x3a3: {  	[tilespmem:s25], [sflag:$0x1] =	stream.indirect_vreg.gather [hbm4b:s14+s3], $0x80, v3, vm0, $0xb8;
	[tilespmem:$0x18100] =	vst v63  }
0x3a4: {  	s26 =	simm.s32 $0xB900  }
0x3a5: {  	[tilespmem:s26], [sflag:$0x1] =	stream.indirect_vreg.gather [hbm4b:s15+s3], $0x80, v3, vm0, $0xb8;
	[tilespmem:$0x18100] =	vst v63  }
0x3a6: {  	_ =	swait.ge [sflag:s23], $0xC000  }
0x3a7: {  	[sflag:s23] =	ssyncset.done $0x0  }
0x3a8: {  	s28 =	rddreg [dreg:$0x10];
	[sflag:s23] =	ssyncadd.s32 $0xFFFF4000  }
0x3a9: {  	[hbm4b:s28+s3] =	stream.linear.scatter [tilespmem:s20], [sflag:$0x3], $0xC000, $0x38;
	[tilespmem:$0x18100] =	vst v63  }
0x3aa: {  	_ =	swait.ge [sflag:s17], $0xC000  }
0x3ab: {  	[sflag:s17] =	ssyncset.done $0x0  }
0x3ac: {  	[sflag:s17] =	ssyncadd.s32 $0xFFFF4000  }
0x3ad: {  	v3 =	vld [tilespmem:$0xF0];
	_ =	sdelay $0x4  }
0x3ae: {  	v63 =	vshrl.u32 v3, $0x3  }
0x3af: {  	v4 =	vmul.u32 $0xC0, v63  }
0x3b0: {  	v3 =	vand.u32 $0x7, v3  }
0x3b1: {  	v3 =	vor.u32 v3, v4  }
0x3b2: {  	v4 =	vperm.xlane v3, v0;
	_ =	sdelay $0x1  }
0x3b3: {  	v4 =	vadd.s32 v1, v4;
	_ =	sdelay $0x4  }
0x3b4: {  	[tilespmem:s20], [sflag:$0x2] =	stream.indirect_vreg.gather [hbm4b:s2+s3], $0x80, v4, vm0, $0xb8;
	[tilespmem:$0x18100] =	vst v63  }
0x3b5: {  	s29 =	simm.s32 $0xC900  }
0x3b6: {  	[tilespmem:s29], [sflag:$0x2] =	stream.indirect_vreg.gather [hbm4b:s5+s3], $0x80, v4, vm0, $0xb8;
	[tilespmem:$0x18100] =	vst v63  }
0x3b7: {  	s30 =	simm.s32 $0xD100  }
0x3b8: {  	[tilespmem:s30], [sflag:$0x2] =	stream.indirect_vreg.gather [hbm4b:s6+s3], $0x80, v4, vm0, $0xb8;
	[tilespmem:$0x18100] =	vst v63  }
0x3b9: {  	s31 =	simm.s32 $0xD900  }
0x3ba: {  	[tilespmem:s31], [sflag:$0x2] =	stream.indirect_vreg.gather [hbm4b:s7+s3], $0x80, v4, vm0, $0xb8;
	[tilespmem:$0x18100] =	vst v63  }
0x3bb: {  	s4 =	simm.s32 $0xE100  }
0x3bc: {  	[tilespmem:s4], [sflag:$0x2] =	stream.indirect_vreg.gather [hbm4b:s8+s3], $0x80, v4, vm0, $0xb8;
	[tilespmem:$0x18100] =	vst v63  }
0x3bd: {  	s16 =	simm.s32 $0xE900  }
0x3be: {  	[tilespmem:s16], [sflag:$0x2] =	stream.indirect_vreg.gather [hbm4b:s9+s3], $0x80, v4, vm0, $0xb8;
	[tilespmem:$0x18100] =	vst v63  }
0x3bf: {  	s18 =	simm.s32 $0xF100  }
0x3c0: {  	[tilespmem:s18], [sflag:$0x2] =	stream.indirect_vreg.gather [hbm4b:s10+s3], $0x80, v4, vm0, $0xb8;
	[tilespmem:$0x18100] =	vst v63  }
0x3c1: {  	s19 =	simm.s32 $0xF900  }
0x3c2: {  	[tilespmem:s19], [sflag:$0x2] =	stream.indirect_vreg.gather [hbm4b:s11+s3], $0x80, v4, vm0, $0xb8;
	[tilespmem:$0x18100] =	vst v63  }
0x3c3: {  	s24 =	simm.s32 $0x10100  }
0x3c4: {  	[tilespmem:s24], [sflag:$0x2] =	stream.indirect_vreg.gather [hbm4b:s12+s3], $0x80, v4, vm0, $0xb8;
	[tilespmem:$0x18100] =	vst v63  }
0x3c5: {  	s25 =	simm.s32 $0x10900;
	v3 =	vperm.xlane v3, v2  }
0x3c6: {  	[tilespmem:s25], [sflag:$0x2] =	stream.indirect_vreg.gather [hbm4b:s13+s3], $0x80, v4, vm0, $0xb8;
	[tilespmem:$0x18100] =	vst v63  }
0x3c7: {  	s26 =	simm.s32 $0x11100;
	v3 =	vadd.s32 v1, v3  }
0x3c8: {  	[tilespmem:s26], [sflag:$0x2] =	stream.indirect_vreg.gather [hbm4b:s14+s3], $0x80, v4, vm0, $0xb8;
	[tilespmem:$0x18100] =	vst v63  }
0x3c9: {  	s28 =	simm.s32 $0x11900  }
0x3ca: {  	[tilespmem:s28], [sflag:$0x2] =	stream.indirect_vreg.gather [hbm4b:s15+s3], $0x80, v4, vm0, $0xb8;
	[tilespmem:$0x18100] =	vst v63  }
0x3cb: {  	s29 =	simm.s32 $0x12100  }
0x3cc: {  	[tilespmem:s29], [sflag:$0x2] =	stream.indirect_vreg.gather [hbm4b:s2+s3], $0x80, v3, vm0, $0xb8;
	[tilespmem:$0x18100] =	vst v63  }
0x3cd: {  	s30 =	simm.s32 $0x12900  }
0x3ce: {  	[tilespmem:s30], [sflag:$0x2] =	stream.indirect_vreg.gather [hbm4b:s5+s3], $0x80, v3, vm0, $0xb8;
	[tilespmem:$0x18100] =	vst v63  }
0x3cf: {  	s31 =	simm.s32 $0x13100  }
0x3d0: {  	[tilespmem:s31], [sflag:$0x2] =	stream.indirect_vreg.gather [hbm4b:s6+s3], $0x80, v3, vm0, $0xb8;
	[tilespmem:$0x18100] =	vst v63  }
0x3d1: {  	s4 =	simm.s32 $0x13900  }
0x3d2: {  	[tilespmem:s4], [sflag:$0x2] =	stream.indirect_vreg.gather [hbm4b:s7+s3], $0x80, v3, vm0, $0xb8;
	[tilespmem:$0x18100] =	vst v63  }
0x3d3: {  	s16 =	simm.s32 $0x14100  }
0x3d4: {  	[tilespmem:s16], [sflag:$0x2] =	stream.indirect_vreg.gather [hbm4b:s8+s3], $0x80, v3, vm0, $0xb8;
	[tilespmem:$0x18100] =	vst v63  }
0x3d5: {  	s18 =	simm.s32 $0x14900  }
0x3d6: {  	[tilespmem:s18], [sflag:$0x2] =	stream.indirect_vreg.gather [hbm4b:s9+s3], $0x80, v3, vm0, $0xb8;
	[tilespmem:$0x18100] =	vst v63  }
0x3d7: {  	s19 =	simm.s32 $0x15100  }
0x3d8: {  	[tilespmem:s19], [sflag:$0x2] =	stream.indirect_vreg.gather [hbm4b:s10+s3], $0x80, v3, vm0, $0xb8;
	[tilespmem:$0x18100] =	vst v63  }
0x3d9: {  	s24 =	simm.s32 $0x15900  }
0x3da: {  	[tilespmem:s24], [sflag:$0x2] =	stream.indirect_vreg.gather [hbm4b:s11+s3], $0x80, v3, vm0, $0xb8;
	[tilespmem:$0x18100] =	vst v63  }
0x3db: {  	s25 =	simm.s32 $0x16100  }
0x3dc: {  	[tilespmem:s25], [sflag:$0x2] =	stream.indirect_vreg.gather [hbm4b:s12+s3], $0x80, v3, vm0, $0xb8;
	[tilespmem:$0x18100] =	vst v63  }
0x3dd: {  	s26 =	simm.s32 $0x16900  }
0x3de: {  	[tilespmem:s26], [sflag:$0x2] =	stream.indirect_vreg.gather [hbm4b:s13+s3], $0x80, v3, vm0, $0xb8;
	[tilespmem:$0x18100] =	vst v63  }
0x3df: {  	s28 =	simm.s32 $0x17100  }
0x3e0: {  	[tilespmem:s28], [sflag:$0x2] =	stream.indirect_vreg.gather [hbm4b:s14+s3], $0x80, v3, vm0, $0xb8;
	[tilespmem:$0x18100] =	vst v63  }
0x3e1: {  	s29 =	simm.s32 $0x17900  }
0x3e2: {  	[tilespmem:s29], [sflag:$0x2] =	stream.indirect_vreg.gather [hbm4b:s15+s3], $0x80, v3, vm0, $0xb8;
	[tilespmem:$0x18100] =	vst v63  }
0x3e3: {  	s0 =	rddreg [dreg:$0x14];
	_ =	swait.ge [sflag:s22], $0xC000  }
0x3e4: {  	[sflag:s22] =	ssyncset.done $0x0  }
0x3e5: {  	s30 =	rddreg [dreg:$0x11];
	[sflag:s22] =	ssyncadd.s32 $0xFFFF4000  }
0x3e6: {  	[hbm4b:s30+s3] =	stream.linear.scatter [tilespmem:s21], [sflag:$0x3], $0xC000, $0x38;
	[tilespmem:$0x18100] =	vst v63  }
0x3e7: {  	_ =	swait.ge [sflag:s17], $0xC000  }
0x3e8: {  	[sflag:s17] =	ssyncset.done $0x0  }
0x3e9: {  	[sflag:s17] =	ssyncadd.s32 $0xFFFF4000  }
0x3ea: {  	_ =	swait.ge [sflag:s23], $0xC000  }
0x3eb: {  	p0 =	sne.s32 s0, $0x1;
	[sflag:s23] =	ssyncset.done $0x0  }
.Ltmp0:
0x3ec: {  	s31 =	rddreg [dreg:$0x12];
	[sflag:s23] =	ssyncadd.s32 $0xFFFF4000;
	(pc) =	sbr.rel @p0 .LBB2_1-.Ltmp0, $4  }
0x3ed: {  	[hbm4b:s31+s3] =	stream.linear.scatter [tilespmem:s20], [sflag:$0x3], $0xC000, $0x38;
	[tilespmem:$0x18100] =	vst v63  }
0x3ee: {  	_ =	swait.ge [sflag:s17], $0xC000  }
0x3ef: {  	[sflag:s17] =	ssyncset.done $0x0  }
0x3f0: {  	s0 =	sadd.s32 $0xFFFFFFFF, s0;
	[sflag:s17] =	ssyncadd.s32 $0xFFFF4000  }
0x3f1: {  	_ =	sfence.sel $0x180000  }
0x3f2: {  	[bflag:$0x0] =	sbarrier.arrive $0xFFFF  }
0x3f3: {  	_ =	strace $0x90000047  }
0x3f4: {  	s0 =	stileid.u32;
	[bflag:$0x2] =	sbarrier.arrive $0xFFFF  }
0x3f5: {  	p0 =	sne.s32 s0, $0x0;
	s0 =	rddreg [dreg:$0x2]  }
0x3f6: {  	s0 =	sadd.s32 @!p0 $0x100000, s0  }
0x3f7: {  	[sflag:s0] =	ssyncadd.tile.s32 @!p0 $0x1;
	_ =	shalt  }
.Lfunc_end2:
_tile_overlayer_lowered:
.L_overlay_start_2:
0x3f8: {  	(tag) =	ssettag $0x2  }
0x3f9: {  	s0 =	rddreg [dreg:$0x0];
	s2 =	stileid.u32  }
0x3fa: {  	s1 =	rddreg [dreg:$0x1];
	p0 =	sne.s32 s2, $0x0  }
0x3fb: {  	s3 =	rddreg [dreg:$0x2];
	[bflag:$0x3] =	sbarrier.arrive $0xFFFF;
	s2 =	simm.s32 @!p0 $0x1C03  }
0x3fc: {  	[timem:s3], [sflag:s2] =	dma.local @!p0 [hbm:s0], s1  }
0x3fd: {  	s0 =	simm.s32 @!p0 $0x3  }
0x3fe: {  	_ =	swait.ge @!p0 [sflag:s0], s1  }
0x3ff: {  	s1 =	ssub.s32 @!p0 $0x0, s1;
	[sflag:s0] =	ssyncset.done @!p0 $0x0  }
0x400: {  	[sflag:s0] =	ssyncadd.s32 @!p0 s1  }
0x401: {  	[bflag:$0x3] =	sbarrier.arrive $0xFFFF  }
0x402: {  	_ =	shalt  }

</sc_bundles>
